<compile_context>
chip_gen: v7x
topology: tpu7x:2x2x1
jax: 0.10.2.dev20260603
libtpu: 0.0.44.dev20260713+nightly
codegen_flags: <defaults>
</compile_context>

<pallas_src>
import functools

import jax
import jax.numpy as jnp
from jax import lax
from jax.experimental import pallas as pl
from jax.experimental.pallas import tpu as pltpu
from jax.experimental.pallas import tpu_sc as plsc

R = 128
V = 100000
NW = 32

TC_CHUNK = 6096
TC_GRID = 8
TC_V = TC_CHUNK * TC_GRID
SC_V0 = TC_V
SC_STRIPE = 1600
SC_CW = 320
SC_NCH = SC_STRIPE // SC_CW
SC_TAIL0 = SC_V0 + NW * SC_STRIPE
SC_WTAIL = V - SC_TAIL0
IBIG = 2 ** 30

def _tc_argmax_body(x_ref, ov_ref, oi_ref, cm, ci):
    pid = pl.program_id(0)
    x = x_ref[...]
    m = jnp.max(x, axis=0, keepdims=True)
    base = pid * TC_CHUNK
    iota = lax.broadcasted_iota(jnp.int32, x.shape, 0) + base
    cand = jnp.where(x == m, iota, jnp.int32(IBIG))
    mi = jnp.min(cand, axis=0, keepdims=True)

    @pl.when(pid == 0)
    def _():
        cm[...] = m
        ci[...] = mi

    @pl.when(pid > 0)
    def _():
        better = m > cm[...]
        ci[...] = jnp.where(better, mi, ci[...])
        cm[...] = jnp.where(better, m, cm[...])

    @pl.when(pid == TC_GRID - 1)
    def _():
        ov_ref[...] = cm[...]
        oi_ref[...] = ci[...]


_tc_argmax = pl.pallas_call(
    _tc_argmax_body,
    grid=(TC_GRID,),
    in_specs=[pl.BlockSpec((TC_CHUNK, R), lambda i: (i, 0))],
    out_specs=[pl.BlockSpec((1, R), lambda i: (0, 0)),
               pl.BlockSpec((1, R), lambda i: (0, 0))],
    out_shape=[jax.ShapeDtypeStruct((1, R), jnp.float32),
               jax.ShapeDtypeStruct((1, R), jnp.int32)],
    scratch_shapes=[pltpu.VMEM((1, R), jnp.float32),
                    pltpu.VMEM((1, R), jnp.int32)],
)

_mesh = plsc.VectorSubcoreMesh(core_axis_name="c", subcore_axis_name="s")


@functools.partial(
    pl.kernel,
    out_type=(jax.ShapeDtypeStruct((NW, R), jnp.float32),
              jax.ShapeDtypeStruct((NW, R), jnp.int32)),
    mesh=_mesh,
    scratch_types=[
        pltpu.VMEM((SC_CW, R), jnp.float32),
        pltpu.VMEM((SC_CW, R), jnp.float32),
        pltpu.VMEM((SC_WTAIL, R), jnp.float32),
        pltpu.VMEM((R,), jnp.float32),
        pltpu.VMEM((R,), jnp.int32),
        pltpu.SemaphoreType.DMA,
        pltpu.SemaphoreType.DMA,
        pltpu.SemaphoreType.DMA,
    ],
)
def _sc_shard(x_hbm, ov_hbm, oi_hbm, buf0, buf1, buft, res_f, res_i,
              sem0, sem1, sem2):
    cid = lax.axis_index("c")
    sid = lax.axis_index("s")
    wid = cid * 16 + sid
    v0 = pl.multiple_of(SC_V0 + wid * SC_STRIPE, 8)
    bufs = (buf0, buf1)
    sems = (sem0, sem1)

    def chunk_src(j):
        return x_hbm.at[pl.ds(pl.multiple_of(v0 + j * SC_CW, 8), SC_CW), :]

    srct = x_hbm.at[pl.ds(SC_TAIL0, SC_WTAIL), :]
    pltpu.async_copy(chunk_src(0), buf0, sem0)
    pltpu.async_copy(chunk_src(1), buf1, sem1)
    pltpu.async_copy(srct, buft, sem2)

    carry = (tuple(jnp.full((16,), -jnp.inf, jnp.float32) for _ in range(8)),
             tuple(jnp.zeros((16,), jnp.int32) for _ in range(8)))

    def scan(bufref, n, vbase, carry):
        def body(s, c):
            cvm = list(c[0])
            cvi = list(c[1])
            idx = jnp.full((16,), vbase + s, jnp.int32)
            for g in range(8):
                v = bufref[s, pl.ds(g * 16, 16)]
                pred = v > cvm[g]
                cvm[g] = jnp.where(pred, v, cvm[g])
                cvi[g] = jnp.where(pred, idx, cvi[g])
            return tuple(cvm), tuple(cvi)

        return lax.fori_loop(0, n, body, carry)

    for j in range(SC_NCH):
        b = j % 2
        pltpu.make_async_copy(chunk_src(j), bufs[b], sems[b]).wait()
        carry = scan(bufs[b], SC_CW, v0 + j * SC_CW, carry)
        if j + 2 < SC_NCH:
            pltpu.async_copy(chunk_src(j + 2), bufs[b], sems[b])

    pltpu.make_async_copy(srct, buft, sem2).wait()
    vm, vi = scan(buft, SC_WTAIL, jnp.int32(SC_TAIL0), carry)

    for g in range(8):
        res_f[pl.ds(g * 16, 16)] = vm[g]
        res_i[pl.ds(g * 16, 16)] = vi[g]
    pltpu.sync_copy(res_f, ov_hbm.at[wid])
    pltpu.sync_copy(res_i, oi_hbm.at[wid])

def _merge_body(tv_ref, ti_ref, sv_ref, si_ref, o_ref):
    sv = sv_ref[...]
    m = jnp.max(sv, axis=0, keepdims=True)
    cand = jnp.where(sv == m, si_ref[...], jnp.int32(IBIG))
    smi = jnp.min(cand, axis=0, keepdims=True)
    better = m > tv_ref[...]
    o_ref[...] = jnp.where(better, smi, ti_ref[...])


_merge = pl.pallas_call(
    _merge_body,
    out_shape=jax.ShapeDtypeStruct((1, R), jnp.int32),
)

@jax.jit
def kernel(m_logits):
    x_t = m_logits.T
    tv, ti = _tc_argmax(x_t)
    sv, si = _sc_shard(x_t)
    token = _merge(tv, ti, sv, si)
    return token.reshape(R, 1).astype(jnp.int64)

# --- scband reference (transcript-rebuilt; emitter-appended) ---
"""Pipeline reference for scband-greedy-head-7026566496664 (READ-ONLY COPY).

The authoritative reference and input builder live on the scoring server;
editing this copy changes nothing except your own understanding.
"""

import jax, jax.numpy as jnp
import numpy as np

def setup_inputs(seed: int = 0) -> dict:
    key = jax.random.key(seed)
    m_logits = jax.random.normal(key, (128, 100000), dtype=jnp.float32)
    return {"m_logits": m_logits}

def reference(m_logits):
    # torch: _, token = torch.topk(m_logits.float(), 1); return token
    _, token = jax.lax.top_k(m_logits.astype(jnp.float32), 1)
    return token.astype(jnp.int64)

if __name__ == "__main__":
    import jax
    _d = setup_inputs()
    print(jax.jit(kernel)(*tuple(_d.values())))

</pallas_src>

<mosaic_0001>
#map = affine_map<(d0, d1) -> (0, 0)>
module attributes {stable_mosaic.version = 14 : i64} {
  func.func @_sc_shard(%arg0: i32, %arg1: i32, %arg2: memref<100000x128xf32, #tpu.memory_space<hbm>>, %arg3: memref<32x128xf32, #tpu.memory_space<hbm>>, %arg4: memref<32x128xi32, #tpu.memory_space<hbm>>, %arg5: memref<320x128xf32, #tpu.memory_space<vmem>>, %arg6: memref<320x128xf32, #tpu.memory_space<vmem>>, %arg7: memref<32x128xf32, #tpu.memory_space<vmem>>, %arg8: memref<128xf32, #tpu.memory_space<vmem>>, %arg9: memref<128xi32, #tpu.memory_space<vmem>>, %arg10: memref<!tpu.dma_semaphore, #tpu.memory_space<semaphore_mem>>, %arg11: memref<!tpu.dma_semaphore, #tpu.memory_space<semaphore_mem>>, %arg12: memref<!tpu.dma_semaphore, #tpu.memory_space<semaphore_mem>>) attributes {dimension_semantics = [#tpu.dimension_semantics<core_parallel>, #tpu.dimension_semantics<subcore_parallel>], iteration_bounds = array<i64: 2, 16>, scalar_prefetch = 0 : i64, scratch_operands = 8 : i64, tpu.core_type = #tpu.core_type<sc_vector_subcore>, window_params = [{transform_indices = #map}, {transform_indices = #map}, {transform_indices = #map}]} {
    %mul3A = arith.constant 16 : i32
    %mul3A_0 = arith.muli %arg0, %mul3A : i32
    %add3A = arith.addi %mul3A_0, %arg1 : i32
    %mul3A_1 = arith.constant 1600 : i32
    %mul3A_2 = arith.muli %add3A, %mul3A_1 : i32
    %add3A_3 = arith.constant 48768 : i32
    %add3A_4 = arith.addi %add3A_3, %mul3A_2 : i32
    %multiple_of3A = tpu.assume_multiple %add3A_4, 8 : i32
    %add3A_5 = arith.constant 0 : i32
    %add3A_6 = arith.addi %multiple_of3A, %add3A_5 : i32
    %multiple_of3A_7 = tpu.assume_multiple %add3A_6, 8 : i32
    %dma_start3A = arith.constant 0 : i32
    %dma_start3A_8 = tpu.memref_slice %arg2[%multiple_of3A_7, %dma_start3A] : memref<100000x128xf32, #tpu.memory_space<hbm>> -> memref<320x128xf32, #tpu.memory_space<hbm>>
    %dma_start3A_9 = arith.constant 0 : i32
    %dma_start3A_10 = tpu.memref_slice %arg2[%multiple_of3A_7, %dma_start3A_9] : memref<100000x128xf32, #tpu.memory_space<hbm>> -> memref<320x128xf32, #tpu.memory_space<hbm>>
    tpu.enqueue_dma source(%dma_start3A_10 : memref<320x128xf32, #tpu.memory_space<hbm>>) target(%arg5 : memref<320x128xf32, #tpu.memory_space<vmem>>) target_semaphore(%arg10 : memref<!tpu.dma_semaphore, #tpu.memory_space<semaphore_mem>>)
    %add3A_11 = arith.constant 320 : i32
    %add3A_12 = arith.addi %multiple_of3A, %add3A_11 : i32
    %multiple_of3A_13 = tpu.assume_multiple %add3A_12, 8 : i32
    %dma_start3A_14 = arith.constant 0 : i32
    %dma_start3A_15 = tpu.memref_slice %arg2[%multiple_of3A_13, %dma_start3A_14] : memref<100000x128xf32, #tpu.memory_space<hbm>> -> memref<320x128xf32, #tpu.memory_space<hbm>>
    %dma_start3A_16 = arith.constant 0 : i32
    %dma_start3A_17 = tpu.memref_slice %arg2[%multiple_of3A_13, %dma_start3A_16] : memref<100000x128xf32, #tpu.memory_space<hbm>> -> memref<320x128xf32, #tpu.memory_space<hbm>>
    tpu.enqueue_dma source(%dma_start3A_17 : memref<320x128xf32, #tpu.memory_space<hbm>>) target(%arg6 : memref<320x128xf32, #tpu.memory_space<vmem>>) target_semaphore(%arg11 : memref<!tpu.dma_semaphore, #tpu.memory_space<semaphore_mem>>)
    %dma_start3A_18 = arith.constant 99968 : i32
    %dma_start3A_19 = arith.constant 0 : i32
    %dma_start3A_20 = tpu.memref_slice %arg2[%dma_start3A_18, %dma_start3A_19] : memref<100000x128xf32, #tpu.memory_space<hbm>> -> memref<32x128xf32, #tpu.memory_space<hbm>>
    %dma_start3A_21 = arith.constant 99968 : i32
    %dma_start3A_22 = arith.constant 0 : i32
    %dma_start3A_23 = tpu.memref_slice %arg2[%dma_start3A_21, %dma_start3A_22] : memref<100000x128xf32, #tpu.memory_space<hbm>> -> memref<32x128xf32, #tpu.memory_space<hbm>>
    tpu.enqueue_dma source(%dma_start3A_23 : memref<32x128xf32, #tpu.memory_space<hbm>>) target(%arg7 : memref<32x128xf32, #tpu.memory_space<vmem>>) target_semaphore(%arg12 : memref<!tpu.dma_semaphore, #tpu.memory_space<semaphore_mem>>)
    %broadcast_in_dim3A = arith.constant 0xFF800000 : f32
    %broadcast_in_dim3A_24 = vector.broadcast %broadcast_in_dim3A : f32 to vector<16xf32>
    %broadcast_in_dim3A_25 = arith.constant 0xFF800000 : f32
    %broadcast_in_dim3A_26 = vector.broadcast %broadcast_in_dim3A_25 : f32 to vector<16xf32>
    %broadcast_in_dim3A_27 = arith.constant 0xFF800000 : f32
    %broadcast_in_dim3A_28 = vector.broadcast %broadcast_in_dim3A_27 : f32 to vector<16xf32>
    %broadcast_in_dim3A_29 = arith.constant 0xFF800000 : f32
    %broadcast_in_dim3A_30 = vector.broadcast %broadcast_in_dim3A_29 : f32 to vector<16xf32>
    %broadcast_in_dim3A_31 = arith.constant 0xFF800000 : f32
    %broadcast_in_dim3A_32 = vector.broadcast %broadcast_in_dim3A_31 : f32 to vector<16xf32>
    %broadcast_in_dim3A_33 = arith.constant 0xFF800000 : f32
    %broadcast_in_dim3A_34 = vector.broadcast %broadcast_in_dim3A_33 : f32 to vector<16xf32>
    %broadcast_in_dim3A_35 = arith.constant 0xFF800000 : f32
    %broadcast_in_dim3A_36 = vector.broadcast %broadcast_in_dim3A_35 : f32 to vector<16xf32>
    %broadcast_in_dim3A_37 = arith.constant 0xFF800000 : f32
    %broadcast_in_dim3A_38 = vector.broadcast %broadcast_in_dim3A_37 : f32 to vector<16xf32>
    %broadcast_in_dim3A_39 = arith.constant 0 : i32
    %broadcast_in_dim3A_40 = vector.broadcast %broadcast_in_dim3A_39 : i32 to vector<16xi32>
    %broadcast_in_dim3A_41 = arith.constant 0 : i32
    %broadcast_in_dim3A_42 = vector.broadcast %broadcast_in_dim3A_41 : i32 to vector<16xi32>
    %broadcast_in_dim3A_43 = arith.constant 0 : i32
    %broadcast_in_dim3A_44 = vector.broadcast %broadcast_in_dim3A_43 : i32 to vector<16xi32>
    %broadcast_in_dim3A_45 = arith.constant 0 : i32
    %broadcast_in_dim3A_46 = vector.broadcast %broadcast_in_dim3A_45 : i32 to vector<16xi32>
    %broadcast_in_dim3A_47 = arith.constant 0 : i32
    %broadcast_in_dim3A_48 = vector.broadcast %broadcast_in_dim3A_47 : i32 to vector<16xi32>
    %broadcast_in_dim3A_49 = arith.constant 0 : i32
    %broadcast_in_dim3A_50 = vector.broadcast %broadcast_in_dim3A_49 : i32 to vector<16xi32>
    %broadcast_in_dim3A_51 = arith.constant 0 : i32
    %broadcast_in_dim3A_52 = vector.broadcast %broadcast_in_dim3A_51 : i32 to vector<16xi32>
    %broadcast_in_dim3A_53 = arith.constant 0 : i32
    %broadcast_in_dim3A_54 = vector.broadcast %broadcast_in_dim3A_53 : i32 to vector<16xi32>
    %add3A_55 = arith.constant 0 : i32
    %add3A_56 = arith.addi %multiple_of3A, %add3A_55 : i32
    %multiple_of3A_57 = tpu.assume_multiple %add3A_56, 8 : i32
    %dma_wait3A = arith.constant 0 : i32
    %dma_wait3A_58 = tpu.memref_slice %arg2[%multiple_of3A_57, %dma_wait3A] : memref<100000x128xf32, #tpu.memory_space<hbm>> -> memref<320x128xf32, #tpu.memory_space<hbm>>
    %dma_wait3A_59 = arith.constant 0 : i32
    %dma_wait3A_60 = tpu.memref_slice %arg2[%multiple_of3A_57, %dma_wait3A_59] : memref<100000x128xf32, #tpu.memory_space<hbm>> -> memref<320x128xf32, #tpu.memory_space<hbm>>
    tpu.wait_dma2 semaphore(%arg10 : memref<!tpu.dma_semaphore, #tpu.memory_space<semaphore_mem>>) src(%dma_wait3A_60 : memref<320x128xf32, #tpu.memory_space<hbm>>) dst(%arg5 : memref<320x128xf32, #tpu.memory_space<vmem>>)
    %add3A_61 = arith.constant 0 : i32
    %add3A_62 = arith.addi %multiple_of3A, %add3A_61 : i32
    %scan3A = arith.constant 0 : i32
    %scan3A_63 = arith.constant 320 : i32
    %scan3A_64 = arith.addi %scan3A, %scan3A_63 : i32
    %scan3A_65 = arith.constant 1 : i32
    %scan3A_66:16 = scf.for %scan3A_225 = %scan3A to %scan3A_64 step %scan3A_65 iter_args(%scan3A_226 = %broadcast_in_dim3A_24, %scan3A_227 = %broadcast_in_dim3A_26, %scan3A_228 = %broadcast_in_dim3A_28, %scan3A_229 = %broadcast_in_dim3A_30, %scan3A_230 = %broadcast_in_dim3A_32, %scan3A_231 = %broadcast_in_dim3A_34, %scan3A_232 = %broadcast_in_dim3A_36, %scan3A_233 = %broadcast_in_dim3A_38, %scan3A_234 = %broadcast_in_dim3A_40, %scan3A_235 = %broadcast_in_dim3A_42, %scan3A_236 = %broadcast_in_dim3A_44, %scan3A_237 = %broadcast_in_dim3A_46, %scan3A_238 = %broadcast_in_dim3A_48, %scan3A_239 = %broadcast_in_dim3A_50, %scan3A_240 = %broadcast_in_dim3A_52, %scan3A_241 = %broadcast_in_dim3A_54) -> (vector<16xf32>, vector<16xf32>, vector<16xf32>, vector<16xf32>, vector<16xf32>, vector<16xf32>, vector<16xf32>, vector<16xf32>, vector<16xi32>, vector<16xi32>, vector<16xi32>, vector<16xi32>, vector<16xi32>, vector<16xi32>, vector<16xi32>, vector<16xi32>)  : i32 {
      %add3A_242 = arith.addi %add3A_62, %scan3A_225 : i32
      %broadcast_in_dim3A_243 = vector.broadcast %add3A_242 : i32 to vector<16xi32>
      %get3A = arith.index_cast %scan3A_225 : i32 to index
      %get3A_244 = arith.constant 0 : index
      %get3A_245 = tpu.vector_load %arg5[%get3A, %get3A_244] {strides = array<i32>} : memref<320x128xf32, #tpu.memory_space<vmem>>, vector<1x16xf32>,
      %get3A_246 = vector.shape_cast %get3A_245 : vector<1x16xf32> to vector<16xf32>
      %gt3A = arith.cmpf ogt, %get3A_246, %scan3A_226 : vector<16xf32>
      %select_n3A = arith.select %gt3A, %get3A_246, %scan3A_226 : vector<16xi1>, vector<16xf32>
      %select_n3A_247 = arith.select %gt3A, %broadcast_in_dim3A_243, %scan3A_234 : vector<16xi1>, vector<16xi32>
      %get3A_248 = arith.index_cast %scan3A_225 : i32 to index
      %get3A_249 = arith.constant 16 : index
      %get3A_250 = tpu.vector_load %arg5[%get3A_248, %get3A_249] {strides = array<i32>} : memref<320x128xf32, #tpu.memory_space<vmem>>, vector<1x16xf32>,
      %get3A_251 = vector.shape_cast %get3A_250 : vector<1x16xf32> to vector<16xf32>
      %gt3A_252 = arith.cmpf ogt, %get3A_251, %scan3A_227 : vector<16xf32>
      %select_n3A_253 = arith.select %gt3A_252, %get3A_251, %scan3A_227 : vector<16xi1>, vector<16xf32>
      %select_n3A_254 = arith.select %gt3A_252, %broadcast_in_dim3A_243, %scan3A_235 : vector<16xi1>, vector<16xi32>
      %get3A_255 = arith.index_cast %scan3A_225 : i32 to index
      %get3A_256 = arith.constant 32 : index
      %get3A_257 = tpu.vector_load %arg5[%get3A_255, %get3A_256] {strides = array<i32>} : memref<320x128xf32, #tpu.memory_space<vmem>>, vector<1x16xf32>,
      %get3A_258 = vector.shape_cast %get3A_257 : vector<1x16xf32> to vector<16xf32>
      %gt3A_259 = arith.cmpf ogt, %get3A_258, %scan3A_228 : vector<16xf32>
      %select_n3A_260 = arith.select %gt3A_259, %get3A_258, %scan3A_228 : vector<16xi1>, vector<16xf32>
      %select_n3A_261 = arith.select %gt3A_259, %broadcast_in_dim3A_243, %scan3A_236 : vector<16xi1>, vector<16xi32>
      %get3A_262 = arith.index_cast %scan3A_225 : i32 to index
      %get3A_263 = arith.constant 48 : index
      %get3A_264 = tpu.vector_load %arg5[%get3A_262, %get3A_263] {strides = array<i32>} : memref<320x128xf32, #tpu.memory_space<vmem>>, vector<1x16xf32>,
      %get3A_265 = vector.shape_cast %get3A_264 : vector<1x16xf32> to vector<16xf32>
      %gt3A_266 = arith.cmpf ogt, %get3A_265, %scan3A_229 : vector<16xf32>
      %select_n3A_267 = arith.select %gt3A_266, %get3A_265, %scan3A_229 : vector<16xi1>, vector<16xf32>
      %select_n3A_268 = arith.select %gt3A_266, %broadcast_in_dim3A_243, %scan3A_237 : vector<16xi1>, vector<16xi32>
      %get3A_269 = arith.index_cast %scan3A_225 : i32 to index
      %get3A_270 = arith.constant 64 : index
      %get3A_271 = tpu.vector_load %arg5[%get3A_269, %get3A_270] {strides = array<i32>} : memref<320x128xf32, #tpu.memory_space<vmem>>, vector<1x16xf32>,
      %get3A_272 = vector.shape_cast %get3A_271 : vector<1x16xf32> to vector<16xf32>
      %gt3A_273 = arith.cmpf ogt, %get3A_272, %scan3A_230 : vector<16xf32>
      %select_n3A_274 = arith.select %gt3A_273, %get3A_272, %scan3A_230 : vector<16xi1>, vector<16xf32>
      %select_n3A_275 = arith.select %gt3A_273, %broadcast_in_dim3A_243, %scan3A_238 : vector<16xi1>, vector<16xi32>
      %get3A_276 = arith.index_cast %scan3A_225 : i32 to index
      %get3A_277 = arith.constant 80 : index
      %get3A_278 = tpu.vector_load %arg5[%get3A_276, %get3A_277] {strides = array<i32>} : memref<320x128xf32, #tpu.memory_space<vmem>>, vector<1x16xf32>,
      %get3A_279 = vector.shape_cast %get3A_278 : vector<1x16xf32> to vector<16xf32>
      %gt3A_280 = arith.cmpf ogt, %get3A_279, %scan3A_231 : vector<16xf32>
      %select_n3A_281 = arith.select %gt3A_280, %get3A_279, %scan3A_231 : vector<16xi1>, vector<16xf32>
      %select_n3A_282 = arith.select %gt3A_280, %broadcast_in_dim3A_243, %scan3A_239 : vector<16xi1>, vector<16xi32>
      %get3A_283 = arith.index_cast %scan3A_225 : i32 to index
      %get3A_284 = arith.constant 96 : index
      %get3A_285 = tpu.vector_load %arg5[%get3A_283, %get3A_284] {strides = array<i32>} : memref<320x128xf32, #tpu.memory_space<vmem>>, vector<1x16xf32>,
      %get3A_286 = vector.shape_cast %get3A_285 : vector<1x16xf32> to vector<16xf32>
      %gt3A_287 = arith.cmpf ogt, %get3A_286, %scan3A_232 : vector<16xf32>
      %select_n3A_288 = arith.select %gt3A_287, %get3A_286, %scan3A_232 : vector<16xi1>, vector<16xf32>
      %select_n3A_289 = arith.select %gt3A_287, %broadcast_in_dim3A_243, %scan3A_240 : vector<16xi1>, vector<16xi32>
      %get3A_290 = arith.index_cast %scan3A_225 : i32 to index
      %get3A_291 = arith.constant 112 : index
      %get3A_292 = tpu.vector_load %arg5[%get3A_290, %get3A_291] {strides = array<i32>} : memref<320x128xf32, #tpu.memory_space<vmem>>, vector<1x16xf32>,
      %get3A_293 = vector.shape_cast %get3A_292 : vector<1x16xf32> to vector<16xf32>
      %gt3A_294 = arith.cmpf ogt, %get3A_293, %scan3A_233 : vector<16xf32>
      %select_n3A_295 = arith.select %gt3A_294, %get3A_293, %scan3A_233 : vector<16xi1>, vector<16xf32>
      %select_n3A_296 = arith.select %gt3A_294, %broadcast_in_dim3A_243, %scan3A_241 : vector<16xi1>, vector<16xi32>
      scf.yield %select_n3A, %select_n3A_253, %select_n3A_260, %select_n3A_267, %select_n3A_274, %select_n3A_281, %select_n3A_288, %select_n3A_295, %select_n3A_247, %select_n3A_254, %select_n3A_261, %select_n3A_268, %select_n3A_275, %select_n3A_282, %select_n3A_289, %select_n3A_296 : vector<16xf32>, vector<16xf32>, vector<16xf32>, vector<16xf32>, vector<16xf32>, vector<16xf32>, vector<16xf32>, vector<16xf32>, vector<16xi32>, vector<16xi32>, vector<16xi32>, vector<16xi32>, vector<16xi32>, vector<16xi32>, vector<16xi32>, vector<16xi32>
    }
    %scan3A_67 = arith.constant 320 : i32
    %add3A_68 = arith.constant 640 : i32
    %add3A_69 = arith.addi %multiple_of3A, %add3A_68 : i32
    %multiple_of3A_70 = tpu.assume_multiple %add3A_69, 8 : i32
    %dma_start3A_71 = arith.constant 0 : i32
    %dma_start3A_72 = tpu.memref_slice %arg2[%multiple_of3A_70, %dma_start3A_71] : memref<100000x128xf32, #tpu.memory_space<hbm>> -> memref<320x128xf32, #tpu.memory_space<hbm>>
    %dma_start3A_73 = arith.constant 0 : i32
    %dma_start3A_74 = tpu.memref_slice %arg2[%multiple_of3A_70, %dma_start3A_73] : memref<100000x128xf32, #tpu.memory_space<hbm>> -> memref<320x128xf32, #tpu.memory_space<hbm>>
    tpu.enqueue_dma source(%dma_start3A_74 : memref<320x128xf32, #tpu.memory_space<hbm>>) target(%arg5 : memref<320x128xf32, #tpu.memory_space<vmem>>) target_semaphore(%arg10 : memref<!tpu.dma_semaphore, #tpu.memory_space<semaphore_mem>>)
    %add3A_75 = arith.constant 320 : i32
    %add3A_76 = arith.addi %multiple_of3A, %add3A_75 : i32
    %multiple_of3A_77 = tpu.assume_multiple %add3A_76, 8 : i32
    %dma_wait3A_78 = arith.constant 0 : i32
    %dma_wait3A_79 = tpu.memref_slice %arg2[%multiple_of3A_77, %dma_wait3A_78] : memref<100000x128xf32, #tpu.memory_space<hbm>> -> memref<320x128xf32, #tpu.memory_space<hbm>>
    %dma_wait3A_80 = arith.constant 0 : i32
    %dma_wait3A_81 = tpu.memref_slice %arg2[%multiple_of3A_77, %dma_wait3A_80] : memref<100000x128xf32, #tpu.memory_space<hbm>> -> memref<320x128xf32, #tpu.memory_space<hbm>>
    tpu.wait_dma2 semaphore(%arg11 : memref<!tpu.dma_semaphore, #tpu.memory_space<semaphore_mem>>) src(%dma_wait3A_81 : memref<320x128xf32, #tpu.memory_space<hbm>>) dst(%arg6 : memref<320x128xf32, #tpu.memory_space<vmem>>)
    %add3A_82 = arith.constant 320 : i32
    %add3A_83 = arith.addi %multiple_of3A, %add3A_82 : i32
    %scan3A_84 = arith.constant 0 : i32
    %scan3A_85 = arith.constant 320 : i32
    %scan3A_86 = arith.addi %scan3A_84, %scan3A_85 : i32
    %scan3A_87 = arith.constant 1 : i32
    %scan3A_88:16 = scf.for %scan3A_225 = %scan3A_84 to %scan3A_86 step %scan3A_87 iter_args(%scan3A_226 = %scan3A_66#0, %scan3A_227 = %scan3A_66#1, %scan3A_228 = %scan3A_66#2, %scan3A_229 = %scan3A_66#3, %scan3A_230 = %scan3A_66#4, %scan3A_231 = %scan3A_66#5, %scan3A_232 = %scan3A_66#6, %scan3A_233 = %scan3A_66#7, %scan3A_234 = %scan3A_66#8, %scan3A_235 = %scan3A_66#9, %scan3A_236 = %scan3A_66#10, %scan3A_237 = %scan3A_66#11, %scan3A_238 = %scan3A_66#12, %scan3A_239 = %scan3A_66#13, %scan3A_240 = %scan3A_66#14, %scan3A_241 = %scan3A_66#15) -> (vector<16xf32>, vector<16xf32>, vector<16xf32>, vector<16xf32>, vector<16xf32>, vector<16xf32>, vector<16xf32>, vector<16xf32>, vector<16xi32>, vector<16xi32>, vector<16xi32>, vector<16xi32>, vector<16xi32>, vector<16xi32>, vector<16xi32>, vector<16xi32>)  : i32 {
      %add3A_242 = arith.addi %add3A_83, %scan3A_225 : i32
      %broadcast_in_dim3A_243 = vector.broadcast %add3A_242 : i32 to vector<16xi32>
      %get3A = arith.index_cast %scan3A_225 : i32 to index
      %get3A_244 = arith.constant 0 : index
      %get3A_245 = tpu.vector_load %arg6[%get3A, %get3A_244] {strides = array<i32>} : memref<320x128xf32, #tpu.memory_space<vmem>>, vector<1x16xf32>,
      %get3A_246 = vector.shape_cast %get3A_245 : vector<1x16xf32> to vector<16xf32>
      %gt3A = arith.cmpf ogt, %get3A_246, %scan3A_226 : vector<16xf32>
      %select_n3A = arith.select %gt3A, %get3A_246, %scan3A_226 : vector<16xi1>, vector<16xf32>
      %select_n3A_247 = arith.select %gt3A, %broadcast_in_dim3A_243, %scan3A_234 : vector<16xi1>, vector<16xi32>
      %get3A_248 = arith.index_cast %scan3A_225 : i32 to index
      %get3A_249 = arith.constant 16 : index
      %get3A_250 = tpu.vector_load %arg6[%get3A_248, %get3A_249] {strides = array<i32>} : memref<320x128xf32, #tpu.memory_space<vmem>>, vector<1x16xf32>,
      %get3A_251 = vector.shape_cast %get3A_250 : vector<1x16xf32> to vector<16xf32>
      %gt3A_252 = arith.cmpf ogt, %get3A_251, %scan3A_227 : vector<16xf32>
      %select_n3A_253 = arith.select %gt3A_252, %get3A_251, %scan3A_227 : vector<16xi1>, vector<16xf32>
      %select_n3A_254 = arith.select %gt3A_252, %broadcast_in_dim3A_243, %scan3A_235 : vector<16xi1>, vector<16xi32>
      %get3A_255 = arith.index_cast %scan3A_225 : i32 to index
      %get3A_256 = arith.constant 32 : index
      %get3A_257 = tpu.vector_load %arg6[%get3A_255, %get3A_256] {strides = array<i32>} : memref<320x128xf32, #tpu.memory_space<vmem>>, vector<1x16xf32>,
      %get3A_258 = vector.shape_cast %get3A_257 : vector<1x16xf32> to vector<16xf32>
      %gt3A_259 = arith.cmpf ogt, %get3A_258, %scan3A_228 : vector<16xf32>
      %select_n3A_260 = arith.select %gt3A_259, %get3A_258, %scan3A_228 : vector<16xi1>, vector<16xf32>
      %select_n3A_261 = arith.select %gt3A_259, %broadcast_in_dim3A_243, %scan3A_236 : vector<16xi1>, vector<16xi32>
      %get3A_262 = arith.index_cast %scan3A_225 : i32 to index
      %get3A_263 = arith.constant 48 : index
      %get3A_264 = tpu.vector_load %arg6[%get3A_262, %get3A_263] {strides = array<i32>} : memref<320x128xf32, #tpu.memory_space<vmem>>, vector<1x16xf32>,
      %get3A_265 = vector.shape_cast %get3A_264 : vector<1x16xf32> to vector<16xf32>
      %gt3A_266 = arith.cmpf ogt, %get3A_265, %scan3A_229 : vector<16xf32>
      %select_n3A_267 = arith.select %gt3A_266, %get3A_265, %scan3A_229 : vector<16xi1>, vector<16xf32>
      %select_n3A_268 = arith.select %gt3A_266, %broadcast_in_dim3A_243, %scan3A_237 : vector<16xi1>, vector<16xi32>
      %get3A_269 = arith.index_cast %scan3A_225 : i32 to index
      %get3A_270 = arith.constant 64 : index
      %get3A_271 = tpu.vector_load %arg6[%get3A_269, %get3A_270] {strides = array<i32>} : memref<320x128xf32, #tpu.memory_space<vmem>>, vector<1x16xf32>,
      %get3A_272 = vector.shape_cast %get3A_271 : vector<1x16xf32> to vector<16xf32>
      %gt3A_273 = arith.cmpf ogt, %get3A_272, %scan3A_230 : vector<16xf32>
      %select_n3A_274 = arith.select %gt3A_273, %get3A_272, %scan3A_230 : vector<16xi1>, vector<16xf32>
      %select_n3A_275 = arith.select %gt3A_273, %broadcast_in_dim3A_243, %scan3A_238 : vector<16xi1>, vector<16xi32>
      %get3A_276 = arith.index_cast %scan3A_225 : i32 to index
      %get3A_277 = arith.constant 80 : index
      %get3A_278 = tpu.vector_load %arg6[%get3A_276, %get3A_277] {strides = array<i32>} : memref<320x128xf32, #tpu.memory_space<vmem>>, vector<1x16xf32>,
      %get3A_279 = vector.shape_cast %get3A_278 : vector<1x16xf32> to vector<16xf32>
      %gt3A_280 = arith.cmpf ogt, %get3A_279, %scan3A_231 : vector<16xf32>
      %select_n3A_281 = arith.select %gt3A_280, %get3A_279, %scan3A_231 : vector<16xi1>, vector<16xf32>
      %select_n3A_282 = arith.select %gt3A_280, %broadcast_in_dim3A_243, %scan3A_239 : vector<16xi1>, vector<16xi32>
      %get3A_283 = arith.index_cast %scan3A_225 : i32 to index
      %get3A_284 = arith.constant 96 : index
      %get3A_285 = tpu.vector_load %arg6[%get3A_283, %get3A_284] {strides = array<i32>} : memref<320x128xf32, #tpu.memory_space<vmem>>, vector<1x16xf32>,
      %get3A_286 = vector.shape_cast %get3A_285 : vector<1x16xf32> to vector<16xf32>
      %gt3A_287 = arith.cmpf ogt, %get3A_286, %scan3A_232 : vector<16xf32>
      %select_n3A_288 = arith.select %gt3A_287, %get3A_286, %scan3A_232 : vector<16xi1>, vector<16xf32>
      %select_n3A_289 = arith.select %gt3A_287, %broadcast_in_dim3A_243, %scan3A_240 : vector<16xi1>, vector<16xi32>
      %get3A_290 = arith.index_cast %scan3A_225 : i32 to index
      %get3A_291 = arith.constant 112 : index
      %get3A_292 = tpu.vector_load %arg6[%get3A_290, %get3A_291] {strides = array<i32>} : memref<320x128xf32, #tpu.memory_space<vmem>>, vector<1x16xf32>,
      %get3A_293 = vector.shape_cast %get3A_292 : vector<1x16xf32> to vector<16xf32>
      %gt3A_294 = arith.cmpf ogt, %get3A_293, %scan3A_233 : vector<16xf32>
      %select_n3A_295 = arith.select %gt3A_294, %get3A_293, %scan3A_233 : vector<16xi1>, vector<16xf32>
      %select_n3A_296 = arith.select %gt3A_294, %broadcast_in_dim3A_243, %scan3A_241 : vector<16xi1>, vector<16xi32>
      scf.yield %select_n3A, %select_n3A_253, %select_n3A_260, %select_n3A_267, %select_n3A_274, %select_n3A_281, %select_n3A_288, %select_n3A_295, %select_n3A_247, %select_n3A_254, %select_n3A_261, %select_n3A_268, %select_n3A_275, %select_n3A_282, %select_n3A_289, %select_n3A_296 : vector<16xf32>, vector<16xf32>, vector<16xf32>, vector<16xf32>, vector<16xf32>, vector<16xf32>, vector<16xf32>, vector<16xf32>, vector<16xi32>, vector<16xi32>, vector<16xi32>, vector<16xi32>, vector<16xi32>, vector<16xi32>, vector<16xi32>, vector<16xi32>
    }
    %scan3A_89 = arith.constant 320 : i32
    %add3A_90 = arith.constant 960 : i32
    %add3A_91 = arith.addi %multiple_of3A, %add3A_90 : i32
    %multiple_of3A_92 = tpu.assume_multiple %add3A_91, 8 : i32
    %dma_start3A_93 = arith.constant 0 : i32
    %dma_start3A_94 = tpu.memref_slice %arg2[%multiple_of3A_92, %dma_start3A_93] : memref<100000x128xf32, #tpu.memory_space<hbm>> -> memref<320x128xf32, #tpu.memory_space<hbm>>
    %dma_start3A_95 = arith.constant 0 : i32
    %dma_start3A_96 = tpu.memref_slice %arg2[%multiple_of3A_92, %dma_start3A_95] : memref<100000x128xf32, #tpu.memory_space<hbm>> -> memref<320x128xf32, #tpu.memory_space<hbm>>
    tpu.enqueue_dma source(%dma_start3A_96 : memref<320x128xf32, #tpu.memory_space<hbm>>) target(%arg6 : memref<320x128xf32, #tpu.memory_space<vmem>>) target_semaphore(%arg11 : memref<!tpu.dma_semaphore, #tpu.memory_space<semaphore_mem>>)
    %add3A_97 = arith.constant 640 : i32
    %add3A_98 = arith.addi %multiple_of3A, %add3A_97 : i32
    %multiple_of3A_99 = tpu.assume_multiple %add3A_98, 8 : i32
    %dma_wait3A_100 = arith.constant 0 : i32
    %dma_wait3A_101 = tpu.memref_slice %arg2[%multiple_of3A_99, %dma_wait3A_100] : memref<100000x128xf32, #tpu.memory_space<hbm>> -> memref<320x128xf32, #tpu.memory_space<hbm>>
    %dma_wait3A_102 = arith.constant 0 : i32
    %dma_wait3A_103 = tpu.memref_slice %arg2[%multiple_of3A_99, %dma_wait3A_102] : memref<100000x128xf32, #tpu.memory_space<hbm>> -> memref<320x128xf32, #tpu.memory_space<hbm>>
    tpu.wait_dma2 semaphore(%arg10 : memref<!tpu.dma_semaphore, #tpu.memory_space<semaphore_mem>>) src(%dma_wait3A_103 : memref<320x128xf32, #tpu.memory_space<hbm>>) dst(%arg5 : memref<320x128xf32, #tpu.memory_space<vmem>>)
    %add3A_104 = arith.constant 640 : i32
    %add3A_105 = arith.addi %multiple_of3A, %add3A_104 : i32
    %scan3A_106 = arith.constant 0 : i32
    %scan3A_107 = arith.constant 320 : i32
    %scan3A_108 = arith.addi %scan3A_106, %scan3A_107 : i32
    %scan3A_109 = arith.constant 1 : i32
    %scan3A_110:16 = scf.for %scan3A_225 = %scan3A_106 to %scan3A_108 step %scan3A_109 iter_args(%scan3A_226 = %scan3A_88#0, %scan3A_227 = %scan3A_88#1, %scan3A_228 = %scan3A_88#2, %scan3A_229 = %scan3A_88#3, %scan3A_230 = %scan3A_88#4, %scan3A_231 = %scan3A_88#5, %scan3A_232 = %scan3A_88#6, %scan3A_233 = %scan3A_88#7, %scan3A_234 = %scan3A_88#8, %scan3A_235 = %scan3A_88#9, %scan3A_236 = %scan3A_88#10, %scan3A_237 = %scan3A_88#11, %scan3A_238 = %scan3A_88#12, %scan3A_239 = %scan3A_88#13, %scan3A_240 = %scan3A_88#14, %scan3A_241 = %scan3A_88#15) -> (vector<16xf32>, vector<16xf32>, vector<16xf32>, vector<16xf32>, vector<16xf32>, vector<16xf32>, vector<16xf32>, vector<16xf32>, vector<16xi32>, vector<16xi32>, vector<16xi32>, vector<16xi32>, vector<16xi32>, vector<16xi32>, vector<16xi32>, vector<16xi32>)  : i32 {
      %add3A_242 = arith.addi %add3A_105, %scan3A_225 : i32
      %broadcast_in_dim3A_243 = vector.broadcast %add3A_242 : i32 to vector<16xi32>
      %get3A = arith.index_cast %scan3A_225 : i32 to index
      %get3A_244 = arith.constant 0 : index
      %get3A_245 = tpu.vector_load %arg5[%get3A, %get3A_244] {strides = array<i32>} : memref<320x128xf32, #tpu.memory_space<vmem>>, vector<1x16xf32>,
      %get3A_246 = vector.shape_cast %get3A_245 : vector<1x16xf32> to vector<16xf32>
      %gt3A = arith.cmpf ogt, %get3A_246, %scan3A_226 : vector<16xf32>
      %select_n3A = arith.select %gt3A, %get3A_246, %scan3A_226 : vector<16xi1>, vector<16xf32>
      %select_n3A_247 = arith.select %gt3A, %broadcast_in_dim3A_243, %scan3A_234 : vector<16xi1>, vector<16xi32>
      %get3A_248 = arith.index_cast %scan3A_225 : i32 to index
      %get3A_249 = arith.constant 16 : index
      %get3A_250 = tpu.vector_load %arg5[%get3A_248, %get3A_249] {strides = array<i32>} : memref<320x128xf32, #tpu.memory_space<vmem>>, vector<1x16xf32>,
      %get3A_251 = vector.shape_cast %get3A_250 : vector<1x16xf32> to vector<16xf32>
      %gt3A_252 = arith.cmpf ogt, %get3A_251, %scan3A_227 : vector<16xf32>
      %select_n3A_253 = arith.select %gt3A_252, %get3A_251, %scan3A_227 : vector<16xi1>, vector<16xf32>
      %select_n3A_254 = arith.select %gt3A_252, %broadcast_in_dim3A_243, %scan3A_235 : vector<16xi1>, vector<16xi32>
      %get3A_255 = arith.index_cast %scan3A_225 : i32 to index
      %get3A_256 = arith.constant 32 : index
      %get3A_257 = tpu.vector_load %arg5[%get3A_255, %get3A_256] {strides = array<i32>} : memref<320x128xf32, #tpu.memory_space<vmem>>, vector<1x16xf32>,
      %get3A_258 = vector.shape_cast %get3A_257 : vector<1x16xf32> to vector<16xf32>
      %gt3A_259 = arith.cmpf ogt, %get3A_258, %scan3A_228 : vector<16xf32>
      %select_n3A_260 = arith.select %gt3A_259, %get3A_258, %scan3A_228 : vector<16xi1>, vector<16xf32>
      %select_n3A_261 = arith.select %gt3A_259, %broadcast_in_dim3A_243, %scan3A_236 : vector<16xi1>, vector<16xi32>
      %get3A_262 = arith.index_cast %scan3A_225 : i32 to index
      %get3A_263 = arith.constant 48 : index
      %get3A_264 = tpu.vector_load %arg5[%get3A_262, %get3A_263] {strides = array<i32>} : memref<320x128xf32, #tpu.memory_space<vmem>>, vector<1x16xf32>,
      %get3A_265 = vector.shape_cast %get3A_264 : vector<1x16xf32> to vector<16xf32>
      %gt3A_266 = arith.cmpf ogt, %get3A_265, %scan3A_229 : vector<16xf32>
      %select_n3A_267 = arith.select %gt3A_266, %get3A_265, %scan3A_229 : vector<16xi1>, vector<16xf32>
      %select_n3A_268 = arith.select %gt3A_266, %broadcast_in_dim3A_243, %scan3A_237 : vector<16xi1>, vector<16xi32>
      %get3A_269 = arith.index_cast %scan3A_225 : i32 to index
      %get3A_270 = arith.constant 64 : index
      %get3A_271 = tpu.vector_load %arg5[%get3A_269, %get3A_270] {strides = array<i32>} : memref<320x128xf32, #tpu.memory_space<vmem>>, vector<1x16xf32>,
      %get3A_272 = vector.shape_cast %get3A_271 : vector<1x16xf32> to vector<16xf32>
      %gt3A_273 = arith.cmpf ogt, %get3A_272, %scan3A_230 : vector<16xf32>
      %select_n3A_274 = arith.select %gt3A_273, %get3A_272, %scan3A_230 : vector<16xi1>, vector<16xf32>
      %select_n3A_275 = arith.select %gt3A_273, %broadcast_in_dim3A_243, %scan3A_238 : vector<16xi1>, vector<16xi32>
      %get3A_276 = arith.index_cast %scan3A_225 : i32 to index
      %get3A_277 = arith.constant 80 : index
      %get3A_278 = tpu.vector_load %arg5[%get3A_276, %get3A_277] {strides = array<i32>} : memref<320x128xf32, #tpu.memory_space<vmem>>, vector<1x16xf32>,
      %get3A_279 = vector.shape_cast %get3A_278 : vector<1x16xf32> to vector<16xf32>
      %gt3A_280 = arith.cmpf ogt, %get3A_279, %scan3A_231 : vector<16xf32>
      %select_n3A_281 = arith.select %gt3A_280, %get3A_279, %scan3A_231 : vector<16xi1>, vector<16xf32>
      %select_n3A_282 = arith.select %gt3A_280, %broadcast_in_dim3A_243, %scan3A_239 : vector<16xi1>, vector<16xi32>
      %get3A_283 = arith.index_cast %scan3A_225 : i32 to index
      %get3A_284 = arith.constant 96 : index
      %get3A_285 = tpu.vector_load %arg5[%get3A_283, %get3A_284] {strides = array<i32>} : memref<320x128xf32, #tpu.memory_space<vmem>>, vector<1x16xf32>,
      %get3A_286 = vector.shape_cast %get3A_285 : vector<1x16xf32> to vector<16xf32>
      %gt3A_287 = arith.cmpf ogt, %get3A_286, %scan3A_232 : vector<16xf32>
      %select_n3A_288 = arith.select %gt3A_287, %get3A_286, %scan3A_232 : vector<16xi1>, vector<16xf32>
      %select_n3A_289 = arith.select %gt3A_287, %broadcast_in_dim3A_243, %scan3A_240 : vector<16xi1>, vector<16xi32>
      %get3A_290 = arith.index_cast %scan3A_225 : i32 to index
      %get3A_291 = arith.constant 112 : index
      %get3A_292 = tpu.vector_load %arg5[%get3A_290, %get3A_291] {strides = array<i32>} : memref<320x128xf32, #tpu.memory_space<vmem>>, vector<1x16xf32>,
      %get3A_293 = vector.shape_cast %get3A_292 : vector<1x16xf32> to vector<16xf32>
      %gt3A_294 = arith.cmpf ogt, %get3A_293, %scan3A_233 : vector<16xf32>
      %select_n3A_295 = arith.select %gt3A_294, %get3A_293, %scan3A_233 : vector<16xi1>, vector<16xf32>
      %select_n3A_296 = arith.select %gt3A_294, %broadcast_in_dim3A_243, %scan3A_241 : vector<16xi1>, vector<16xi32>
      scf.yield %select_n3A, %select_n3A_253, %select_n3A_260, %select_n3A_267, %select_n3A_274, %select_n3A_281, %select_n3A_288, %select_n3A_295, %select_n3A_247, %select_n3A_254, %select_n3A_261, %select_n3A_268, %select_n3A_275, %select_n3A_282, %select_n3A_289, %select_n3A_296 : vector<16xf32>, vector<16xf32>, vector<16xf32>, vector<16xf32>, vector<16xf32>, vector<16xf32>, vector<16xf32>, vector<16xf32>, vector<16xi32>, vector<16xi32>, vector<16xi32>, vector<16xi32>, vector<16xi32>, vector<16xi32>, vector<16xi32>, vector<16xi32>
    }
    %scan3A_111 = arith.constant 320 : i32
    %add3A_112 = arith.constant 1280 : i32
    %add3A_113 = arith.addi %multiple_of3A, %add3A_112 : i32
    %multiple_of3A_114 = tpu.assume_multiple %add3A_113, 8 : i32
    %dma_start3A_115 = arith.constant 0 : i32
    %dma_start3A_116 = tpu.memref_slice %arg2[%multiple_of3A_114, %dma_start3A_115] : memref<100000x128xf32, #tpu.memory_space<hbm>> -> memref<320x128xf32, #tpu.memory_space<hbm>>
    %dma_start3A_117 = arith.constant 0 : i32
    %dma_start3A_118 = tpu.memref_slice %arg2[%multiple_of3A_114, %dma_start3A_117] : memref<100000x128xf32, #tpu.memory_space<hbm>> -> memref<320x128xf32, #tpu.memory_space<hbm>>
    tpu.enqueue_dma source(%dma_start3A_118 : memref<320x128xf32, #tpu.memory_space<hbm>>) target(%arg5 : memref<320x128xf32, #tpu.memory_space<vmem>>) target_semaphore(%arg10 : memref<!tpu.dma_semaphore, #tpu.memory_space<semaphore_mem>>)
    %add3A_119 = arith.constant 960 : i32
    %add3A_120 = arith.addi %multiple_of3A, %add3A_119 : i32
    %multiple_of3A_121 = tpu.assume_multiple %add3A_120, 8 : i32
    %dma_wait3A_122 = arith.constant 0 : i32
    %dma_wait3A_123 = tpu.memref_slice %arg2[%multiple_of3A_121, %dma_wait3A_122] : memref<100000x128xf32, #tpu.memory_space<hbm>> -> memref<320x128xf32, #tpu.memory_space<hbm>>
    %dma_wait3A_124 = arith.constant 0 : i32
    %dma_wait3A_125 = tpu.memref_slice %arg2[%multiple_of3A_121, %dma_wait3A_124] : memref<100000x128xf32, #tpu.memory_space<hbm>> -> memref<320x128xf32, #tpu.memory_space<hbm>>
    tpu.wait_dma2 semaphore(%arg11 : memref<!tpu.dma_semaphore, #tpu.memory_space<semaphore_mem>>) src(%dma_wait3A_125 : memref<320x128xf32, #tpu.memory_space<hbm>>) dst(%arg6 : memref<320x128xf32, #tpu.memory_space<vmem>>)
    %add3A_126 = arith.constant 960 : i32
    %add3A_127 = arith.addi %multiple_of3A, %add3A_126 : i32
    %scan3A_128 = arith.constant 0 : i32
    %scan3A_129 = arith.constant 320 : i32
    %scan3A_130 = arith.addi %scan3A_128, %scan3A_129 : i32
    %scan3A_131 = arith.constant 1 : i32
    %scan3A_132:16 = scf.for %scan3A_225 = %scan3A_128 to %scan3A_130 step %scan3A_131 iter_args(%scan3A_226 = %scan3A_110#0, %scan3A_227 = %scan3A_110#1, %scan3A_228 = %scan3A_110#2, %scan3A_229 = %scan3A_110#3, %scan3A_230 = %scan3A_110#4, %scan3A_231 = %scan3A_110#5, %scan3A_232 = %scan3A_110#6, %scan3A_233 = %scan3A_110#7, %scan3A_234 = %scan3A_110#8, %scan3A_235 = %scan3A_110#9, %scan3A_236 = %scan3A_110#10, %scan3A_237 = %scan3A_110#11, %scan3A_238 = %scan3A_110#12, %scan3A_239 = %scan3A_110#13, %scan3A_240 = %scan3A_110#14, %scan3A_241 = %scan3A_110#15) -> (vector<16xf32>, vector<16xf32>, vector<16xf32>, vector<16xf32>, vector<16xf32>, vector<16xf32>, vector<16xf32>, vector<16xf32>, vector<16xi32>, vector<16xi32>, vector<16xi32>, vector<16xi32>, vector<16xi32>, vector<16xi32>, vector<16xi32>, vector<16xi32>)  : i32 {
      %add3A_242 = arith.addi %add3A_127, %scan3A_225 : i32
      %broadcast_in_dim3A_243 = vector.broadcast %add3A_242 : i32 to vector<16xi32>
      %get3A = arith.index_cast %scan3A_225 : i32 to index
      %get3A_244 = arith.constant 0 : index
      %get3A_245 = tpu.vector_load %arg6[%get3A, %get3A_244] {strides = array<i32>} : memref<320x128xf32, #tpu.memory_space<vmem>>, vector<1x16xf32>,
      %get3A_246 = vector.shape_cast %get3A_245 : vector<1x16xf32> to vector<16xf32>
      %gt3A = arith.cmpf ogt, %get3A_246, %scan3A_226 : vector<16xf32>
      %select_n3A = arith.select %gt3A, %get3A_246, %scan3A_226 : vector<16xi1>, vector<16xf32>
      %select_n3A_247 = arith.select %gt3A, %broadcast_in_dim3A_243, %scan3A_234 : vector<16xi1>, vector<16xi32>
      %get3A_248 = arith.index_cast %scan3A_225 : i32 to index
      %get3A_249 = arith.constant 16 : index
      %get3A_250 = tpu.vector_load %arg6[%get3A_248, %get3A_249] {strides = array<i32>} : memref<320x128xf32, #tpu.memory_space<vmem>>, vector<1x16xf32>,
      %get3A_251 = vector.shape_cast %get3A_250 : vector<1x16xf32> to vector<16xf32>
      %gt3A_252 = arith.cmpf ogt, %get3A_251, %scan3A_227 : vector<16xf32>
      %select_n3A_253 = arith.select %gt3A_252, %get3A_251, %scan3A_227 : vector<16xi1>, vector<16xf32>
      %select_n3A_254 = arith.select %gt3A_252, %broadcast_in_dim3A_243, %scan3A_235 : vector<16xi1>, vector<16xi32>
      %get3A_255 = arith.index_cast %scan3A_225 : i32 to index
      %get3A_256 = arith.constant 32 : index
      %get3A_257 = tpu.vector_load %arg6[%get3A_255, %get3A_256] {strides = array<i32>} : memref<320x128xf32, #tpu.memory_space<vmem>>, vector<1x16xf32>,
      %get3A_258 = vector.shape_cast %get3A_257 : vector<1x16xf32> to vector<16xf32>
      %gt3A_259 = arith.cmpf ogt, %get3A_258, %scan3A_228 : vector<16xf32>
      %select_n3A_260 = arith.select %gt3A_259, %get3A_258, %scan3A_228 : vector<16xi1>, vector<16xf32>
      %select_n3A_261 = arith.select %gt3A_259, %broadcast_in_dim3A_243, %scan3A_236 : vector<16xi1>, vector<16xi32>
      %get3A_262 = arith.index_cast %scan3A_225 : i32 to index
      %get3A_263 = arith.constant 48 : index
      %get3A_264 = tpu.vector_load %arg6[%get3A_262, %get3A_263] {strides = array<i32>} : memref<320x128xf32, #tpu.memory_space<vmem>>, vector<1x16xf32>,
      %get3A_265 = vector.shape_cast %get3A_264 : vector<1x16xf32> to vector<16xf32>
      %gt3A_266 = arith.cmpf ogt, %get3A_265, %scan3A_229 : vector<16xf32>
      %select_n3A_267 = arith.select %gt3A_266, %get3A_265, %scan3A_229 : vector<16xi1>, vector<16xf32>
      %select_n3A_268 = arith.select %gt3A_266, %broadcast_in_dim3A_243, %scan3A_237 : vector<16xi1>, vector<16xi32>
      %get3A_269 = arith.index_cast %scan3A_225 : i32 to index
      %get3A_270 = arith.constant 64 : index
      %get3A_271 = tpu.vector_load %arg6[%get3A_269, %get3A_270] {strides = array<i32>} : memref<320x128xf32, #tpu.memory_space<vmem>>, vector<1x16xf32>,
      %get3A_272 = vector.shape_cast %get3A_271 : vector<1x16xf32> to vector<16xf32>
      %gt3A_273 = arith.cmpf ogt, %get3A_272, %scan3A_230 : vector<16xf32>
      %select_n3A_274 = arith.select %gt3A_273, %get3A_272, %scan3A_230 : vector<16xi1>, vector<16xf32>
      %select_n3A_275 = arith.select %gt3A_273, %broadcast_in_dim3A_243, %scan3A_238 : vector<16xi1>, vector<16xi32>
      %get3A_276 = arith.index_cast %scan3A_225 : i32 to index
      %get3A_277 = arith.constant 80 : index
      %get3A_278 = tpu.vector_load %arg6[%get3A_276, %get3A_277] {strides = array<i32>} : memref<320x128xf32, #tpu.memory_space<vmem>>, vector<1x16xf32>,
      %get3A_279 = vector.shape_cast %get3A_278 : vector<1x16xf32> to vector<16xf32>
      %gt3A_280 = arith.cmpf ogt, %get3A_279, %scan3A_231 : vector<16xf32>
      %select_n3A_281 = arith.select %gt3A_280, %get3A_279, %scan3A_231 : vector<16xi1>, vector<16xf32>
      %select_n3A_282 = arith.select %gt3A_280, %broadcast_in_dim3A_243, %scan3A_239 : vector<16xi1>, vector<16xi32>
      %get3A_283 = arith.index_cast %scan3A_225 : i32 to index
      %get3A_284 = arith.constant 96 : index
      %get3A_285 = tpu.vector_load %arg6[%get3A_283, %get3A_284] {strides = array<i32>} : memref<320x128xf32, #tpu.memory_space<vmem>>, vector<1x16xf32>,
      %get3A_286 = vector.shape_cast %get3A_285 : vector<1x16xf32> to vector<16xf32>
      %gt3A_287 = arith.cmpf ogt, %get3A_286, %scan3A_232 : vector<16xf32>
      %select_n3A_288 = arith.select %gt3A_287, %get3A_286, %scan3A_232 : vector<16xi1>, vector<16xf32>
      %select_n3A_289 = arith.select %gt3A_287, %broadcast_in_dim3A_243, %scan3A_240 : vector<16xi1>, vector<16xi32>
      %get3A_290 = arith.index_cast %scan3A_225 : i32 to index
      %get3A_291 = arith.constant 112 : index
      %get3A_292 = tpu.vector_load %arg6[%get3A_290, %get3A_291] {strides = array<i32>} : memref<320x128xf32, #tpu.memory_space<vmem>>, vector<1x16xf32>,
      %get3A_293 = vector.shape_cast %get3A_292 : vector<1x16xf32> to vector<16xf32>
      %gt3A_294 = arith.cmpf ogt, %get3A_293, %scan3A_233 : vector<16xf32>
      %select_n3A_295 = arith.select %gt3A_294, %get3A_293, %scan3A_233 : vector<16xi1>, vector<16xf32>
      %select_n3A_296 = arith.select %gt3A_294, %broadcast_in_dim3A_243, %scan3A_241 : vector<16xi1>, vector<16xi32>
      scf.yield %select_n3A, %select_n3A_253, %select_n3A_260, %select_n3A_267, %select_n3A_274, %select_n3A_281, %select_n3A_288, %select_n3A_295, %select_n3A_247, %select_n3A_254, %select_n3A_261, %select_n3A_268, %select_n3A_275, %select_n3A_282, %select_n3A_289, %select_n3A_296 : vector<16xf32>, vector<16xf32>, vector<16xf32>, vector<16xf32>, vector<16xf32>, vector<16xf32>, vector<16xf32>, vector<16xf32>, vector<16xi32>, vector<16xi32>, vector<16xi32>, vector<16xi32>, vector<16xi32>, vector<16xi32>, vector<16xi32>, vector<16xi32>
    }
    %scan3A_133 = arith.constant 320 : i32
    %add3A_134 = arith.constant 1280 : i32
    %add3A_135 = arith.addi %multiple_of3A, %add3A_134 : i32
    %multiple_of3A_136 = tpu.assume_multiple %add3A_135, 8 : i32
    %dma_wait3A_137 = arith.constant 0 : i32
    %dma_wait3A_138 = tpu.memref_slice %arg2[%multiple_of3A_136, %dma_wait3A_137] : memref<100000x128xf32, #tpu.memory_space<hbm>> -> memref<320x128xf32, #tpu.memory_space<hbm>>
    %dma_wait3A_139 = arith.constant 0 : i32
    %dma_wait3A_140 = tpu.memref_slice %arg2[%multiple_of3A_136, %dma_wait3A_139] : memref<100000x128xf32, #tpu.memory_space<hbm>> -> memref<320x128xf32, #tpu.memory_space<hbm>>
    tpu.wait_dma2 semaphore(%arg10 : memref<!tpu.dma_semaphore, #tpu.memory_space<semaphore_mem>>) src(%dma_wait3A_140 : memref<320x128xf32, #tpu.memory_space<hbm>>) dst(%arg5 : memref<320x128xf32, #tpu.memory_space<vmem>>)
    %add3A_141 = arith.constant 1280 : i32
    %add3A_142 = arith.addi %multiple_of3A, %add3A_141 : i32
    %scan3A_143 = arith.constant 0 : i32
    %scan3A_144 = arith.constant 320 : i32
    %scan3A_145 = arith.addi %scan3A_143, %scan3A_144 : i32
    %scan3A_146 = arith.constant 1 : i32
    %scan3A_147:16 = scf.for %scan3A_225 = %scan3A_143 to %scan3A_145 step %scan3A_146 iter_args(%scan3A_226 = %scan3A_132#0, %scan3A_227 = %scan3A_132#1, %scan3A_228 = %scan3A_132#2, %scan3A_229 = %scan3A_132#3, %scan3A_230 = %scan3A_132#4, %scan3A_231 = %scan3A_132#5, %scan3A_232 = %scan3A_132#6, %scan3A_233 = %scan3A_132#7, %scan3A_234 = %scan3A_132#8, %scan3A_235 = %scan3A_132#9, %scan3A_236 = %scan3A_132#10, %scan3A_237 = %scan3A_132#11, %scan3A_238 = %scan3A_132#12, %scan3A_239 = %scan3A_132#13, %scan3A_240 = %scan3A_132#14, %scan3A_241 = %scan3A_132#15) -> (vector<16xf32>, vector<16xf32>, vector<16xf32>, vector<16xf32>, vector<16xf32>, vector<16xf32>, vector<16xf32>, vector<16xf32>, vector<16xi32>, vector<16xi32>, vector<16xi32>, vector<16xi32>, vector<16xi32>, vector<16xi32>, vector<16xi32>, vector<16xi32>)  : i32 {
      %add3A_242 = arith.addi %add3A_142, %scan3A_225 : i32
      %broadcast_in_dim3A_243 = vector.broadcast %add3A_242 : i32 to vector<16xi32>
      %get3A = arith.index_cast %scan3A_225 : i32 to index
      %get3A_244 = arith.constant 0 : index
      %get3A_245 = tpu.vector_load %arg5[%get3A, %get3A_244] {strides = array<i32>} : memref<320x128xf32, #tpu.memory_space<vmem>>, vector<1x16xf32>,
      %get3A_246 = vector.shape_cast %get3A_245 : vector<1x16xf32> to vector<16xf32>
      %gt3A = arith.cmpf ogt, %get3A_246, %scan3A_226 : vector<16xf32>
      %select_n3A = arith.select %gt3A, %get3A_246, %scan3A_226 : vector<16xi1>, vector<16xf32>
      %select_n3A_247 = arith.select %gt3A, %broadcast_in_dim3A_243, %scan3A_234 : vector<16xi1>, vector<16xi32>
      %get3A_248 = arith.index_cast %scan3A_225 : i32 to index
      %get3A_249 = arith.constant 16 : index
      %get3A_250 = tpu.vector_load %arg5[%get3A_248, %get3A_249] {strides = array<i32>} : memref<320x128xf32, #tpu.memory_space<vmem>>, vector<1x16xf32>,
      %get3A_251 = vector.shape_cast %get3A_250 : vector<1x16xf32> to vector<16xf32>
      %gt3A_252 = arith.cmpf ogt, %get3A_251, %scan3A_227 : vector<16xf32>
      %select_n3A_253 = arith.select %gt3A_252, %get3A_251, %scan3A_227 : vector<16xi1>, vector<16xf32>
      %select_n3A_254 = arith.select %gt3A_252, %broadcast_in_dim3A_243, %scan3A_235 : vector<16xi1>, vector<16xi32>
      %get3A_255 = arith.index_cast %scan3A_225 : i32 to index
      %get3A_256 = arith.constant 32 : index
      %get3A_257 = tpu.vector_load %arg5[%get3A_255, %get3A_256] {strides = array<i32>} : memref<320x128xf32, #tpu.memory_space<vmem>>, vector<1x16xf32>,
      %get3A_258 = vector.shape_cast %get3A_257 : vector<1x16xf32> to vector<16xf32>
      %gt3A_259 = arith.cmpf ogt, %get3A_258, %scan3A_228 : vector<16xf32>
      %select_n3A_260 = arith.select %gt3A_259, %get3A_258, %scan3A_228 : vector<16xi1>, vector<16xf32>
      %select_n3A_261 = arith.select %gt3A_259, %broadcast_in_dim3A_243, %scan3A_236 : vector<16xi1>, vector<16xi32>
      %get3A_262 = arith.index_cast %scan3A_225 : i32 to index
      %get3A_263 = arith.constant 48 : index
      %get3A_264 = tpu.vector_load %arg5[%get3A_262, %get3A_263] {strides = array<i32>} : memref<320x128xf32, #tpu.memory_space<vmem>>, vector<1x16xf32>,
      %get3A_265 = vector.shape_cast %get3A_264 : vector<1x16xf32> to vector<16xf32>
      %gt3A_266 = arith.cmpf ogt, %get3A_265, %scan3A_229 : vector<16xf32>
      %select_n3A_267 = arith.select %gt3A_266, %get3A_265, %scan3A_229 : vector<16xi1>, vector<16xf32>
      %select_n3A_268 = arith.select %gt3A_266, %broadcast_in_dim3A_243, %scan3A_237 : vector<16xi1>, vector<16xi32>
      %get3A_269 = arith.index_cast %scan3A_225 : i32 to index
      %get3A_270 = arith.constant 64 : index
      %get3A_271 = tpu.vector_load %arg5[%get3A_269, %get3A_270] {strides = array<i32>} : memref<320x128xf32, #tpu.memory_space<vmem>>, vector<1x16xf32>,
      %get3A_272 = vector.shape_cast %get3A_271 : vector<1x16xf32> to vector<16xf32>
      %gt3A_273 = arith.cmpf ogt, %get3A_272, %scan3A_230 : vector<16xf32>
      %select_n3A_274 = arith.select %gt3A_273, %get3A_272, %scan3A_230 : vector<16xi1>, vector<16xf32>
      %select_n3A_275 = arith.select %gt3A_273, %broadcast_in_dim3A_243, %scan3A_238 : vector<16xi1>, vector<16xi32>
      %get3A_276 = arith.index_cast %scan3A_225 : i32 to index
      %get3A_277 = arith.constant 80 : index
      %get3A_278 = tpu.vector_load %arg5[%get3A_276, %get3A_277] {strides = array<i32>} : memref<320x128xf32, #tpu.memory_space<vmem>>, vector<1x16xf32>,
      %get3A_279 = vector.shape_cast %get3A_278 : vector<1x16xf32> to vector<16xf32>
      %gt3A_280 = arith.cmpf ogt, %get3A_279, %scan3A_231 : vector<16xf32>
      %select_n3A_281 = arith.select %gt3A_280, %get3A_279, %scan3A_231 : vector<16xi1>, vector<16xf32>
      %select_n3A_282 = arith.select %gt3A_280, %broadcast_in_dim3A_243, %scan3A_239 : vector<16xi1>, vector<16xi32>
      %get3A_283 = arith.index_cast %scan3A_225 : i32 to index
      %get3A_284 = arith.constant 96 : index
      %get3A_285 = tpu.vector_load %arg5[%get3A_283, %get3A_284] {strides = array<i32>} : memref<320x128xf32, #tpu.memory_space<vmem>>, vector<1x16xf32>,
      %get3A_286 = vector.shape_cast %get3A_285 : vector<1x16xf32> to vector<16xf32>
      %gt3A_287 = arith.cmpf ogt, %get3A_286, %scan3A_232 : vector<16xf32>
      %select_n3A_288 = arith.select %gt3A_287, %get3A_286, %scan3A_232 : vector<16xi1>, vector<16xf32>
      %select_n3A_289 = arith.select %gt3A_287, %broadcast_in_dim3A_243, %scan3A_240 : vector<16xi1>, vector<16xi32>
      %get3A_290 = arith.index_cast %scan3A_225 : i32 to index
      %get3A_291 = arith.constant 112 : index
      %get3A_292 = tpu.vector_load %arg5[%get3A_290, %get3A_291] {strides = array<i32>} : memref<320x128xf32, #tpu.memory_space<vmem>>, vector<1x16xf32>,
      %get3A_293 = vector.shape_cast %get3A_292 : vector<1x16xf32> to vector<16xf32>
      %gt3A_294 = arith.cmpf ogt, %get3A_293, %scan3A_233 : vector<16xf32>
      %select_n3A_295 = arith.select %gt3A_294, %get3A_293, %scan3A_233 : vector<16xi1>, vector<16xf32>
      %select_n3A_296 = arith.select %gt3A_294, %broadcast_in_dim3A_243, %scan3A_241 : vector<16xi1>, vector<16xi32>
      scf.yield %select_n3A, %select_n3A_253, %select_n3A_260, %select_n3A_267, %select_n3A_274, %select_n3A_281, %select_n3A_288, %select_n3A_295, %select_n3A_247, %select_n3A_254, %select_n3A_261, %select_n3A_268, %select_n3A_275, %select_n3A_282, %select_n3A_289, %select_n3A_296 : vector<16xf32>, vector<16xf32>, vector<16xf32>, vector<16xf32>, vector<16xf32>, vector<16xf32>, vector<16xf32>, vector<16xf32>, vector<16xi32>, vector<16xi32>, vector<16xi32>, vector<16xi32>, vector<16xi32>, vector<16xi32>, vector<16xi32>, vector<16xi32>
    }
    %scan3A_148 = arith.constant 320 : i32
    %dma_wait3A_149 = arith.constant 99968 : i32
    %dma_wait3A_150 = arith.constant 0 : i32
    %dma_wait3A_151 = tpu.memref_slice %arg2[%dma_wait3A_149, %dma_wait3A_150] : memref<100000x128xf32, #tpu.memory_space<hbm>> -> memref<32x128xf32, #tpu.memory_space<hbm>>
    %dma_wait3A_152 = arith.constant 99968 : i32
    %dma_wait3A_153 = arith.constant 0 : i32
    %dma_wait3A_154 = tpu.memref_slice %arg2[%dma_wait3A_152, %dma_wait3A_153] : memref<100000x128xf32, #tpu.memory_space<hbm>> -> memref<32x128xf32, #tpu.memory_space<hbm>>
    tpu.wait_dma2 semaphore(%arg12 : memref<!tpu.dma_semaphore, #tpu.memory_space<semaphore_mem>>) src(%dma_wait3A_154 : memref<32x128xf32, #tpu.memory_space<hbm>>) dst(%arg7 : memref<32x128xf32, #tpu.memory_space<vmem>>)
    %scan3A_155 = arith.constant 99968 : i32
    %scan3A_156 = arith.constant 0 : i32
    %scan3A_157 = arith.constant 32 : i32
    %scan3A_158 = arith.addi %scan3A_156, %scan3A_157 : i32
    %scan3A_159 = arith.constant 1 : i32
    %scan3A_160:16 = scf.for %scan3A_225 = %scan3A_156 to %scan3A_158 step %scan3A_159 iter_args(%scan3A_226 = %scan3A_147#0, %scan3A_227 = %scan3A_147#1, %scan3A_228 = %scan3A_147#2, %scan3A_229 = %scan3A_147#3, %scan3A_230 = %scan3A_147#4, %scan3A_231 = %scan3A_147#5, %scan3A_232 = %scan3A_147#6, %scan3A_233 = %scan3A_147#7, %scan3A_234 = %scan3A_147#8, %scan3A_235 = %scan3A_147#9, %scan3A_236 = %scan3A_147#10, %scan3A_237 = %scan3A_147#11, %scan3A_238 = %scan3A_147#12, %scan3A_239 = %scan3A_147#13, %scan3A_240 = %scan3A_147#14, %scan3A_241 = %scan3A_147#15) -> (vector<16xf32>, vector<16xf32>, vector<16xf32>, vector<16xf32>, vector<16xf32>, vector<16xf32>, vector<16xf32>, vector<16xf32>, vector<16xi32>, vector<16xi32>, vector<16xi32>, vector<16xi32>, vector<16xi32>, vector<16xi32>, vector<16xi32>, vector<16xi32>)  : i32 {
      %add3A_242 = arith.addi %scan3A_155, %scan3A_225 : i32
      %broadcast_in_dim3A_243 = vector.broadcast %add3A_242 : i32 to vector<16xi32>
      %get3A = arith.index_cast %scan3A_225 : i32 to index
      %get3A_244 = arith.constant 0 : index
      %get3A_245 = tpu.vector_load %arg7[%get3A, %get3A_244] {strides = array<i32>} : memref<32x128xf32, #tpu.memory_space<vmem>>, vector<1x16xf32>,
      %get3A_246 = vector.shape_cast %get3A_245 : vector<1x16xf32> to vector<16xf32>
      %gt3A = arith.cmpf ogt, %get3A_246, %scan3A_226 : vector<16xf32>
      %select_n3A = arith.select %gt3A, %get3A_246, %scan3A_226 : vector<16xi1>, vector<16xf32>
      %select_n3A_247 = arith.select %gt3A, %broadcast_in_dim3A_243, %scan3A_234 : vector<16xi1>, vector<16xi32>
      %get3A_248 = arith.index_cast %scan3A_225 : i32 to index
      %get3A_249 = arith.constant 16 : index
      %get3A_250 = tpu.vector_load %arg7[%get3A_248, %get3A_249] {strides = array<i32>} : memref<32x128xf32, #tpu.memory_space<vmem>>, vector<1x16xf32>,
      %get3A_251 = vector.shape_cast %get3A_250 : vector<1x16xf32> to vector<16xf32>
      %gt3A_252 = arith.cmpf ogt, %get3A_251, %scan3A_227 : vector<16xf32>
      %select_n3A_253 = arith.select %gt3A_252, %get3A_251, %scan3A_227 : vector<16xi1>, vector<16xf32>
      %select_n3A_254 = arith.select %gt3A_252, %broadcast_in_dim3A_243, %scan3A_235 : vector<16xi1>, vector<16xi32>
      %get3A_255 = arith.index_cast %scan3A_225 : i32 to index
      %get3A_256 = arith.constant 32 : index
      %get3A_257 = tpu.vector_load %arg7[%get3A_255, %get3A_256] {strides = array<i32>} : memref<32x128xf32, #tpu.memory_space<vmem>>, vector<1x16xf32>,
      %get3A_258 = vector.shape_cast %get3A_257 : vector<1x16xf32> to vector<16xf32>
      %gt3A_259 = arith.cmpf ogt, %get3A_258, %scan3A_228 : vector<16xf32>
      %select_n3A_260 = arith.select %gt3A_259, %get3A_258, %scan3A_228 : vector<16xi1>, vector<16xf32>
      %select_n3A_261 = arith.select %gt3A_259, %broadcast_in_dim3A_243, %scan3A_236 : vector<16xi1>, vector<16xi32>
      %get3A_262 = arith.index_cast %scan3A_225 : i32 to index
      %get3A_263 = arith.constant 48 : index
      %get3A_264 = tpu.vector_load %arg7[%get3A_262, %get3A_263] {strides = array<i32>} : memref<32x128xf32, #tpu.memory_space<vmem>>, vector<1x16xf32>,
      %get3A_265 = vector.shape_cast %get3A_264 : vector<1x16xf32> to vector<16xf32>
      %gt3A_266 = arith.cmpf ogt, %get3A_265, %scan3A_229 : vector<16xf32>
      %select_n3A_267 = arith.select %gt3A_266, %get3A_265, %scan3A_229 : vector<16xi1>, vector<16xf32>
      %select_n3A_268 = arith.select %gt3A_266, %broadcast_in_dim3A_243, %scan3A_237 : vector<16xi1>, vector<16xi32>
      %get3A_269 = arith.index_cast %scan3A_225 : i32 to index
      %get3A_270 = arith.constant 64 : index
      %get3A_271 = tpu.vector_load %arg7[%get3A_269, %get3A_270] {strides = array<i32>} : memref<32x128xf32, #tpu.memory_space<vmem>>, vector<1x16xf32>,
      %get3A_272 = vector.shape_cast %get3A_271 : vector<1x16xf32> to vector<16xf32>
      %gt3A_273 = arith.cmpf ogt, %get3A_272, %scan3A_230 : vector<16xf32>
      %select_n3A_274 = arith.select %gt3A_273, %get3A_272, %scan3A_230 : vector<16xi1>, vector<16xf32>
      %select_n3A_275 = arith.select %gt3A_273, %broadcast_in_dim3A_243, %scan3A_238 : vector<16xi1>, vector<16xi32>
      %get3A_276 = arith.index_cast %scan3A_225 : i32 to index
      %get3A_277 = arith.constant 80 : index
      %get3A_278 = tpu.vector_load %arg7[%get3A_276, %get3A_277] {strides = array<i32>} : memref<32x128xf32, #tpu.memory_space<vmem>>, vector<1x16xf32>,
      %get3A_279 = vector.shape_cast %get3A_278 : vector<1x16xf32> to vector<16xf32>
      %gt3A_280 = arith.cmpf ogt, %get3A_279, %scan3A_231 : vector<16xf32>
      %select_n3A_281 = arith.select %gt3A_280, %get3A_279, %scan3A_231 : vector<16xi1>, vector<16xf32>
      %select_n3A_282 = arith.select %gt3A_280, %broadcast_in_dim3A_243, %scan3A_239 : vector<16xi1>, vector<16xi32>
      %get3A_283 = arith.index_cast %scan3A_225 : i32 to index
      %get3A_284 = arith.constant 96 : index
      %get3A_285 = tpu.vector_load %arg7[%get3A_283, %get3A_284] {strides = array<i32>} : memref<32x128xf32, #tpu.memory_space<vmem>>, vector<1x16xf32>,
      %get3A_286 = vector.shape_cast %get3A_285 : vector<1x16xf32> to vector<16xf32>
      %gt3A_287 = arith.cmpf ogt, %get3A_286, %scan3A_232 : vector<16xf32>
      %select_n3A_288 = arith.select %gt3A_287, %get3A_286, %scan3A_232 : vector<16xi1>, vector<16xf32>
      %select_n3A_289 = arith.select %gt3A_287, %broadcast_in_dim3A_243, %scan3A_240 : vector<16xi1>, vector<16xi32>
      %get3A_290 = arith.index_cast %scan3A_225 : i32 to index
      %get3A_291 = arith.constant 112 : index
      %get3A_292 = tpu.vector_load %arg7[%get3A_290, %get3A_291] {strides = array<i32>} : memref<32x128xf32, #tpu.memory_space<vmem>>, vector<1x16xf32>,
      %get3A_293 = vector.shape_cast %get3A_292 : vector<1x16xf32> to vector<16xf32>
      %gt3A_294 = arith.cmpf ogt, %get3A_293, %scan3A_233 : vector<16xf32>
      %select_n3A_295 = arith.select %gt3A_294, %get3A_293, %scan3A_233 : vector<16xi1>, vector<16xf32>
      %select_n3A_296 = arith.select %gt3A_294, %broadcast_in_dim3A_243, %scan3A_241 : vector<16xi1>, vector<16xi32>
      scf.yield %select_n3A, %select_n3A_253, %select_n3A_260, %select_n3A_267, %select_n3A_274, %select_n3A_281, %select_n3A_288, %select_n3A_295, %select_n3A_247, %select_n3A_254, %select_n3A_261, %select_n3A_268, %select_n3A_275, %select_n3A_282, %select_n3A_289, %select_n3A_296 : vector<16xf32>, vector<16xf32>, vector<16xf32>, vector<16xf32>, vector<16xf32>, vector<16xf32>, vector<16xf32>, vector<16xf32>, vector<16xi32>, vector<16xi32>, vector<16xi32>, vector<16xi32>, vector<16xi32>, vector<16xi32>, vector<16xi32>, vector<16xi32>
    }
    %scan3A_161 = arith.constant 32 : i32
    %swap3A = arith.constant 0 : index
    %swap3A_162 = tpu.vector_load %arg8[%swap3A] {strides = array<i32>} : memref<128xf32, #tpu.memory_space<vmem>>, vector<16xf32>,
    %swap3A_163 = vector.shape_cast %swap3A_162 : vector<16xf32> to vector<16xf32>
    %swap3A_164 = vector.shape_cast %scan3A_160#0 : vector<16xf32> to vector<16xf32>
    tpu.vector_store %arg8[%swap3A], %swap3A_164 {strides = array<i32>} : memref<128xf32, #tpu.memory_space<vmem>>, vector<16xf32>,
    %swap3A_165 = arith.constant 0 : index
    %swap3A_166 = tpu.vector_load %arg9[%swap3A_165] {strides = array<i32>} : memref<128xi32, #tpu.memory_space<vmem>>, vector<16xi32>,
    %swap3A_167 = vector.shape_cast %swap3A_166 : vector<16xi32> to vector<16xi32>
    %swap3A_168 = vector.shape_cast %scan3A_160#8 : vector<16xi32> to vector<16xi32>
    tpu.vector_store %arg9[%swap3A_165], %swap3A_168 {strides = array<i32>} : memref<128xi32, #tpu.memory_space<vmem>>, vector<16xi32>,
    %swap3A_169 = arith.constant 16 : index
    %swap3A_170 = tpu.vector_load %arg8[%swap3A_169] {strides = array<i32>} : memref<128xf32, #tpu.memory_space<vmem>>, vector<16xf32>,
    %swap3A_171 = vector.shape_cast %swap3A_170 : vector<16xf32> to vector<16xf32>
    %swap3A_172 = vector.shape_cast %scan3A_160#1 : vector<16xf32> to vector<16xf32>
    tpu.vector_store %arg8[%swap3A_169], %swap3A_172 {strides = array<i32>} : memref<128xf32, #tpu.memory_space<vmem>>, vector<16xf32>,
    %swap3A_173 = arith.constant 16 : index
    %swap3A_174 = tpu.vector_load %arg9[%swap3A_173] {strides = array<i32>} : memref<128xi32, #tpu.memory_space<vmem>>, vector<16xi32>,
    %swap3A_175 = vector.shape_cast %swap3A_174 : vector<16xi32> to vector<16xi32>
    %swap3A_176 = vector.shape_cast %scan3A_160#9 : vector<16xi32> to vector<16xi32>
    tpu.vector_store %arg9[%swap3A_173], %swap3A_176 {strides = array<i32>} : memref<128xi32, #tpu.memory_space<vmem>>, vector<16xi32>,
    %swap3A_177 = arith.constant 32 : index
    %swap3A_178 = tpu.vector_load %arg8[%swap3A_177] {strides = array<i32>} : memref<128xf32, #tpu.memory_space<vmem>>, vector<16xf32>,
    %swap3A_179 = vector.shape_cast %swap3A_178 : vector<16xf32> to vector<16xf32>
    %swap3A_180 = vector.shape_cast %scan3A_160#2 : vector<16xf32> to vector<16xf32>
    tpu.vector_store %arg8[%swap3A_177], %swap3A_180 {strides = array<i32>} : memref<128xf32, #tpu.memory_space<vmem>>, vector<16xf32>,
    %swap3A_181 = arith.constant 32 : index
    %swap3A_182 = tpu.vector_load %arg9[%swap3A_181] {strides = array<i32>} : memref<128xi32, #tpu.memory_space<vmem>>, vector<16xi32>,
    %swap3A_183 = vector.shape_cast %swap3A_182 : vector<16xi32> to vector<16xi32>
    %swap3A_184 = vector.shape_cast %scan3A_160#10 : vector<16xi32> to vector<16xi32>
    tpu.vector_store %arg9[%swap3A_181], %swap3A_184 {strides = array<i32>} : memref<128xi32, #tpu.memory_space<vmem>>, vector<16xi32>,
    %swap3A_185 = arith.constant 48 : index
    %swap3A_186 = tpu.vector_load %arg8[%swap3A_185] {strides = array<i32>} : memref<128xf32, #tpu.memory_space<vmem>>, vector<16xf32>,
    %swap3A_187 = vector.shape_cast %swap3A_186 : vector<16xf32> to vector<16xf32>
    %swap3A_188 = vector.shape_cast %scan3A_160#3 : vector<16xf32> to vector<16xf32>
    tpu.vector_store %arg8[%swap3A_185], %swap3A_188 {strides = array<i32>} : memref<128xf32, #tpu.memory_space<vmem>>, vector<16xf32>,
    %swap3A_189 = arith.constant 48 : index
    %swap3A_190 = tpu.vector_load %arg9[%swap3A_189] {strides = array<i32>} : memref<128xi32, #tpu.memory_space<vmem>>, vector<16xi32>,
    %swap3A_191 = vector.shape_cast %swap3A_190 : vector<16xi32> to vector<16xi32>
    %swap3A_192 = vector.shape_cast %scan3A_160#11 : vector<16xi32> to vector<16xi32>
    tpu.vector_store %arg9[%swap3A_189], %swap3A_192 {strides = array<i32>} : memref<128xi32, #tpu.memory_space<vmem>>, vector<16xi32>,
    %swap3A_193 = arith.constant 64 : index
    %swap3A_194 = tpu.vector_load %arg8[%swap3A_193] {strides = array<i32>} : memref<128xf32, #tpu.memory_space<vmem>>, vector<16xf32>,
    %swap3A_195 = vector.shape_cast %swap3A_194 : vector<16xf32> to vector<16xf32>
    %swap3A_196 = vector.shape_cast %scan3A_160#4 : vector<16xf32> to vector<16xf32>
    tpu.vector_store %arg8[%swap3A_193], %swap3A_196 {strides = array<i32>} : memref<128xf32, #tpu.memory_space<vmem>>, vector<16xf32>,
    %swap3A_197 = arith.constant 64 : index
    %swap3A_198 = tpu.vector_load %arg9[%swap3A_197] {strides = array<i32>} : memref<128xi32, #tpu.memory_space<vmem>>, vector<16xi32>,
    %swap3A_199 = vector.shape_cast %swap3A_198 : vector<16xi32> to vector<16xi32>
    %swap3A_200 = vector.shape_cast %scan3A_160#12 : vector<16xi32> to vector<16xi32>
    tpu.vector_store %arg9[%swap3A_197], %swap3A_200 {strides = array<i32>} : memref<128xi32, #tpu.memory_space<vmem>>, vector<16xi32>,
    %swap3A_201 = arith.constant 80 : index
    %swap3A_202 = tpu.vector_load %arg8[%swap3A_201] {strides = array<i32>} : memref<128xf32, #tpu.memory_space<vmem>>, vector<16xf32>,
    %swap3A_203 = vector.shape_cast %swap3A_202 : vector<16xf32> to vector<16xf32>
    %swap3A_204 = vector.shape_cast %scan3A_160#5 : vector<16xf32> to vector<16xf32>
    tpu.vector_store %arg8[%swap3A_201], %swap3A_204 {strides = array<i32>} : memref<128xf32, #tpu.memory_space<vmem>>, vector<16xf32>,
    %swap3A_205 = arith.constant 80 : index
    %swap3A_206 = tpu.vector_load %arg9[%swap3A_205] {strides = array<i32>} : memref<128xi32, #tpu.memory_space<vmem>>, vector<16xi32>,
    %swap3A_207 = vector.shape_cast %swap3A_206 : vector<16xi32> to vector<16xi32>
    %swap3A_208 = vector.shape_cast %scan3A_160#13 : vector<16xi32> to vector<16xi32>
    tpu.vector_store %arg9[%swap3A_205], %swap3A_208 {strides = array<i32>} : memref<128xi32, #tpu.memory_space<vmem>>, vector<16xi32>,
    %swap3A_209 = arith.constant 96 : index
    %swap3A_210 = tpu.vector_load %arg8[%swap3A_209] {strides = array<i32>} : memref<128xf32, #tpu.memory_space<vmem>>, vector<16xf32>,
    %swap3A_211 = vector.shape_cast %swap3A_210 : vector<16xf32> to vector<16xf32>
    %swap3A_212 = vector.shape_cast %scan3A_160#6 : vector<16xf32> to vector<16xf32>
    tpu.vector_store %arg8[%swap3A_209], %swap3A_212 {strides = array<i32>} : memref<128xf32, #tpu.memory_space<vmem>>, vector<16xf32>,
    %swap3A_213 = arith.constant 96 : index
    %swap3A_214 = tpu.vector_load %arg9[%swap3A_213] {strides = array<i32>} : memref<128xi32, #tpu.memory_space<vmem>>, vector<16xi32>,
    %swap3A_215 = vector.shape_cast %swap3A_214 : vector<16xi32> to vector<16xi32>
    %swap3A_216 = vector.shape_cast %scan3A_160#14 : vector<16xi32> to vector<16xi32>
    tpu.vector_store %arg9[%swap3A_213], %swap3A_216 {strides = array<i32>} : memref<128xi32, #tpu.memory_space<vmem>>, vector<16xi32>,
    %swap3A_217 = arith.constant 112 : index
    %swap3A_218 = tpu.vector_load %arg8[%swap3A_217] {strides = array<i32>} : memref<128xf32, #tpu.memory_space<vmem>>, vector<16xf32>,
    %swap3A_219 = vector.shape_cast %swap3A_218 : vector<16xf32> to vector<16xf32>
    %swap3A_220 = vector.shape_cast %scan3A_160#7 : vector<16xf32> to vector<16xf32>
    tpu.vector_store %arg8[%swap3A_217], %swap3A_220 {strides = array<i32>} : memref<128xf32, #tpu.memory_space<vmem>>, vector<16xf32>,
    %swap3A_221 = arith.constant 112 : index
    %swap3A_222 = tpu.vector_load %arg9[%swap3A_221] {strides = array<i32>} : memref<128xi32, #tpu.memory_space<vmem>>, vector<16xi32>,
    %swap3A_223 = vector.shape_cast %swap3A_222 : vector<16xi32> to vector<16xi32>
    %swap3A_224 = vector.shape_cast %scan3A_160#15 : vector<16xi32> to vector<16xi32>
    tpu.vector_store %arg9[%swap3A_221], %swap3A_224 {strides = array<i32>} : memref<128xi32, #tpu.memory_space<vmem>>, vector<16xi32>,
    "tpu.region"() ({
      %run_scoped3A = tpu.sem_alloc : memref<!tpu.dma_semaphore, #tpu.memory_space<semaphore_mem>>
      %dma_start3A_225 = arith.constant 0 : i32
      %dma_start3A_226 = tpu.memref_slice %arg3[%add3A, %dma_start3A_225] : memref<32x128xf32, #tpu.memory_space<hbm>> -> memref<1x128xf32, #tpu.memory_space<hbm>>
      %dma_start3A_227 = tpu.memref_squeeze %dma_start3A_226 : memref<1x128xf32, #tpu.memory_space<hbm>> -> memref<128xf32, #tpu.memory_space<hbm>>
      %dma_start3A_228 = arith.constant 0 : i32
      %dma_start3A_229 = tpu.memref_slice %arg3[%add3A, %dma_start3A_228] : memref<32x128xf32, #tpu.memory_space<hbm>> -> memref<1x128xf32, #tpu.memory_space<hbm>>
      %dma_start3A_230 = tpu.memref_squeeze %dma_start3A_229 : memref<1x128xf32, #tpu.memory_space<hbm>> -> memref<128xf32, #tpu.memory_space<hbm>>
      tpu.enqueue_dma source(%arg8 : memref<128xf32, #tpu.memory_space<vmem>>) target(%dma_start3A_230 : memref<128xf32, #tpu.memory_space<hbm>>) target_semaphore(%run_scoped3A : memref<!tpu.dma_semaphore, #tpu.memory_space<semaphore_mem>>)
      %dma_wait3A_231 = arith.constant 0 : i32
      %dma_wait3A_232 = tpu.memref_slice %arg3[%add3A, %dma_wait3A_231] : memref<32x128xf32, #tpu.memory_space<hbm>> -> memref<1x128xf32, #tpu.memory_space<hbm>>
      %dma_wait3A_233 = tpu.memref_squeeze %dma_wait3A_232 : memref<1x128xf32, #tpu.memory_space<hbm>> -> memref<128xf32, #tpu.memory_space<hbm>>
      %dma_wait3A_234 = arith.constant 0 : i32
      %dma_wait3A_235 = tpu.memref_slice %arg3[%add3A, %dma_wait3A_234] : memref<32x128xf32, #tpu.memory_space<hbm>> -> memref<1x128xf32, #tpu.memory_space<hbm>>
      %dma_wait3A_236 = tpu.memref_squeeze %dma_wait3A_235 : memref<1x128xf32, #tpu.memory_space<hbm>> -> memref<128xf32, #tpu.memory_space<hbm>>
      tpu.wait_dma2 semaphore(%run_scoped3A : memref<!tpu.dma_semaphore, #tpu.memory_space<semaphore_mem>>) src(%arg8 : memref<128xf32, #tpu.memory_space<vmem>>) dst(%dma_wait3A_236 : memref<128xf32, #tpu.memory_space<hbm>>)
      tpu.yield
    }) : () -> ()
    "tpu.region"() ({
      %run_scoped3A = tpu.sem_alloc : memref<!tpu.dma_semaphore, #tpu.memory_space<semaphore_mem>>
      %dma_start3A_225 = arith.constant 0 : i32
      %dma_start3A_226 = tpu.memref_slice %arg4[%add3A, %dma_start3A_225] : memref<32x128xi32, #tpu.memory_space<hbm>> -> memref<1x128xi32, #tpu.memory_space<hbm>>
      %dma_start3A_227 = tpu.memref_squeeze %dma_start3A_226 : memref<1x128xi32, #tpu.memory_space<hbm>> -> memref<128xi32, #tpu.memory_space<hbm>>
      %dma_start3A_228 = arith.constant 0 : i32
      %dma_start3A_229 = tpu.memref_slice %arg4[%add3A, %dma_start3A_228] : memref<32x128xi32, #tpu.memory_space<hbm>> -> memref<1x128xi32, #tpu.memory_space<hbm>>
      %dma_start3A_230 = tpu.memref_squeeze %dma_start3A_229 : memref<1x128xi32, #tpu.memory_space<hbm>> -> memref<128xi32, #tpu.memory_space<hbm>>
      tpu.enqueue_dma source(%arg9 : memref<128xi32, #tpu.memory_space<vmem>>) target(%dma_start3A_230 : memref<128xi32, #tpu.memory_space<hbm>>) target_semaphore(%run_scoped3A : memref<!tpu.dma_semaphore, #tpu.memory_space<semaphore_mem>>)
      %dma_wait3A_231 = arith.constant 0 : i32
      %dma_wait3A_232 = tpu.memref_slice %arg4[%add3A, %dma_wait3A_231] : memref<32x128xi32, #tpu.memory_space<hbm>> -> memref<1x128xi32, #tpu.memory_space<hbm>>
      %dma_wait3A_233 = tpu.memref_squeeze %dma_wait3A_232 : memref<1x128xi32, #tpu.memory_space<hbm>> -> memref<128xi32, #tpu.memory_space<hbm>>
      %dma_wait3A_234 = arith.constant 0 : i32
      %dma_wait3A_235 = tpu.memref_slice %arg4[%add3A, %dma_wait3A_234] : memref<32x128xi32, #tpu.memory_space<hbm>> -> memref<1x128xi32, #tpu.memory_space<hbm>>
      %dma_wait3A_236 = tpu.memref_squeeze %dma_wait3A_235 : memref<1x128xi32, #tpu.memory_space<hbm>> -> memref<128xi32, #tpu.memory_space<hbm>>
      tpu.wait_dma2 semaphore(%run_scoped3A : memref<!tpu.dma_semaphore, #tpu.memory_space<semaphore_mem>>) src(%arg9 : memref<128xi32, #tpu.memory_space<vmem>>) dst(%dma_wait3A_236 : memref<128xi32, #tpu.memory_space<hbm>>)
      tpu.yield
    }) : () -> ()
    return
  }
}

module attributes {stable_mosaic.version = 14 : i64} {
  func.func @_merge_body(%arg0: memref<1x128xf32, #tpu.memory_space<vmem>>, %arg1: memref<1x128xi32, #tpu.memory_space<vmem>>, %arg2: memref<32x128xf32, #tpu.memory_space<vmem>>, %arg3: memref<32x128xi32, #tpu.memory_space<vmem>>, %arg4: memref<1x128xi32, #tpu.memory_space<vmem>>) attributes {dimension_semantics = [], scalar_prefetch = 0 : i64, scratch_operands = 0 : i64, tpu.core_type = #tpu.core_type<tc>} {
    %get3A = arith.constant 0 : index
    %get3A_0 = arith.constant 0 : index
    %get3A_1 = vector.load %arg2[%get3A, %get3A_0] : memref<32x128xf32, #tpu.memory_space<vmem>>, vector<32x128xf32>
    %reduce_max3A = arith.constant dense<0xFF800000> : vector<128xf32>
    %reduce_max3A_2 = vector.multi_reduction <maximumf>, %get3A_1, %reduce_max3A [0] : vector<32x128xf32> to vector<128xf32>
    %broadcast_in_dim3A = vector.shape_cast %reduce_max3A_2 : vector<128xf32> to vector<1x128xf32>
    %eq3A = vector.broadcast %broadcast_in_dim3A : vector<1x128xf32> to vector<32x128xf32>
    %eq3A_3 = arith.cmpf oeq, %get3A_1, %eq3A : vector<32x128xf32>
    %get3A_4 = arith.constant 0 : index
    %get3A_5 = arith.constant 0 : index
    %get3A_6 = vector.load %arg3[%get3A_4, %get3A_5] : memref<32x128xi32, #tpu.memory_space<vmem>>, vector<32x128xi32>
    %jit3A = arith.constant 1073741824 : i32
    %broadcast_in_dim3A_7 = vector.broadcast %jit3A : i32 to vector<32x128xi32>
    %select_n3A = arith.select %eq3A_3, %get3A_6, %broadcast_in_dim3A_7 : vector<32x128xi1>, vector<32x128xi32>
    %reduce_min3A = arith.constant dense<2147483647> : vector<128xi32>
    %reduce_min3A_8 = vector.multi_reduction <minsi>, %select_n3A, %reduce_min3A [0] : vector<32x128xi32> to vector<128xi32>
    %broadcast_in_dim3A_9 = vector.shape_cast %reduce_min3A_8 : vector<128xi32> to vector<1x128xi32>
    %get3A_10 = arith.constant 0 : index
    %get3A_11 = arith.constant 0 : index
    %get3A_12 = vector.load %arg0[%get3A_10, %get3A_11] : memref<1x128xf32, #tpu.memory_space<vmem>>, vector<1x128xf32>
    %gt3A = arith.cmpf ogt, %broadcast_in_dim3A, %get3A_12 : vector<1x128xf32>
    %get3A_13 = arith.constant 0 : index
    %get3A_14 = arith.constant 0 : index
    %get3A_15 = vector.load %arg1[%get3A_13, %get3A_14] : memref<1x128xi32, #tpu.memory_space<vmem>>, vector<1x128xi32>
    %select_n3A_16 = arith.select %gt3A, %broadcast_in_dim3A_9, %get3A_15 : vector<1x128xi1>, vector<1x128xi32>
    %swap3A = arith.constant 0 : index
    %swap3A_17 = arith.constant 0 : index
    %swap3A_18 = vector.load %arg4[%swap3A, %swap3A_17] : memref<1x128xi32, #tpu.memory_space<vmem>>, vector<1x128xi32>
    tpu.vector_store %arg4[%swap3A, %swap3A_17], %select_n3A_16 {strides = array<i32>} : memref<1x128xi32, #tpu.memory_space<vmem>>, vector<1x128xi32>,
    return
  }
}

module attributes {stable_mosaic.version = 14 : i64} {
  func.func @_tc_argmax_body(%arg0: i32, %arg1: memref<6096x128xf32, #tpu.memory_space<vmem>>, %arg2: memref<1x128xf32, #tpu.memory_space<vmem>>, %arg3: memref<1x128xi32, #tpu.memory_space<vmem>>, %arg4: memref<1x128xf32, #tpu.memory_space<vmem>>, %arg5: memref<1x128xi32, #tpu.memory_space<vmem>>) attributes {dimension_semantics = [#tpu.dimension_semantics<arbitrary>], iteration_bounds = array<i64: 8>, scalar_prefetch = 0 : i64, scratch_operands = 2 : i64, tpu.core_type = #tpu.core_type<tc>, window_params = [{transform_indices = @transform_0, window_bounds = array<i64: 6096, 128>}, {pipeline_mode = #tpu.pipeline_mode<synchronous>, transform_indices = @transform_1, window_bounds = array<i64: 1, 128>}, {pipeline_mode = #tpu.pipeline_mode<synchronous>, transform_indices = @transform_2, window_bounds = array<i64: 1, 128>}]} {
    %get3A = arith.constant 0 : index
    %get3A_0 = arith.constant 0 : index
    %get3A_1 = vector.load %arg1[%get3A, %get3A_0] : memref<6096x128xf32, #tpu.memory_space<vmem>>, vector<6096x128xf32>
    %reduce_max3A = arith.constant dense<0xFF800000> : vector<128xf32>
    %reduce_max3A_2 = vector.multi_reduction <maximumf>, %get3A_1, %reduce_max3A [0] : vector<6096x128xf32> to vector<128xf32>
    %broadcast_in_dim3A = vector.shape_cast %reduce_max3A_2 : vector<128xf32> to vector<1x128xf32>
    %mul3A = arith.constant 6096 : i32
    %mul3A_3 = arith.muli %arg0, %mul3A : i32
    %iota3A = tpu.iota {dimensions = array<i32: 0>} : vector<6096x128xi32>
    %add3A = vector.broadcast %mul3A_3 : i32 to vector<6096x128xi32>
    %add3A_4 = arith.addi %iota3A, %add3A : vector<6096x128xi32>
    %eq3A = vector.broadcast %broadcast_in_dim3A : vector<1x128xf32> to vector<6096x128xf32>
    %eq3A_5 = arith.cmpf oeq, %get3A_1, %eq3A : vector<6096x128xf32>
    %jit3A = arith.constant 1073741824 : i32
    %broadcast_in_dim3A_6 = vector.broadcast %jit3A : i32 to vector<6096x128xi32>
    %select_n3A = arith.select %eq3A_5, %add3A_4, %broadcast_in_dim3A_6 : vector<6096x128xi1>, vector<6096x128xi32>
    %reduce_min3A = arith.constant dense<2147483647> : vector<128xi32>
    %reduce_min3A_7 = vector.multi_reduction <minsi>, %select_n3A, %reduce_min3A [0] : vector<6096x128xi32> to vector<128xi32>
    %broadcast_in_dim3A_8 = vector.shape_cast %reduce_min3A_7 : vector<128xi32> to vector<1x128xi32>
    %eq3A_9 = arith.constant 0 : i32
    %eq3A_10 = arith.cmpi eq, %arg0, %eq3A_9 : i32
    %convert_element_type3A = arith.extui %eq3A_10 : i1 to i32
    %cond3A = arith.constant 0 : i32
    %cond3A_11 = arith.cmpi ne, %convert_element_type3A, %cond3A : i32
    scf.if %cond3A_11 {
      %swap3A = arith.constant 0 : index
      %swap3A_21 = arith.constant 0 : index
      %swap3A_22 = vector.load %arg4[%swap3A, %swap3A_21] : memref<1x128xf32, #tpu.memory_space<vmem>>, vector<1x128xf32>
      tpu.vector_store %arg4[%swap3A, %swap3A_21], %broadcast_in_dim3A {strides = array<i32>} : memref<1x128xf32, #tpu.memory_space<vmem>>, vector<1x128xf32>,
      %swap3A_23 = arith.constant 0 : index
      %swap3A_24 = arith.constant 0 : index
      %swap3A_25 = vector.load %arg5[%swap3A_23, %swap3A_24] : memref<1x128xi32, #tpu.memory_space<vmem>>, vector<1x128xi32>
      tpu.vector_store %arg5[%swap3A_23, %swap3A_24], %broadcast_in_dim3A_8 {strides = array<i32>} : memref<1x128xi32, #tpu.memory_space<vmem>>, vector<1x128xi32>,
    } else {
    }
    %gt3A = arith.constant 0 : i32
    %gt3A_12 = arith.cmpi sgt, %arg0, %gt3A : i32
    %convert_element_type3A_13 = arith.extui %gt3A_12 : i1 to i32
    %cond3A_14 = arith.constant 0 : i32
    %cond3A_15 = arith.cmpi ne, %convert_element_type3A_13, %cond3A_14 : i32
    scf.if %cond3A_15 {
      %get3A_21 = arith.constant 0 : index
      %get3A_22 = arith.constant 0 : index
      %get3A_23 = vector.load %arg4[%get3A_21, %get3A_22] : memref<1x128xf32, #tpu.memory_space<vmem>>, vector<1x128xf32>
      %gt3A_24 = arith.cmpf ogt, %broadcast_in_dim3A, %get3A_23 : vector<1x128xf32>
      %get3A_25 = arith.constant 0 : index
      %get3A_26 = arith.constant 0 : index
      %get3A_27 = vector.load %arg5[%get3A_25, %get3A_26] : memref<1x128xi32, #tpu.memory_space<vmem>>, vector<1x128xi32>
      %select_n3A_28 = arith.select %gt3A_24, %broadcast_in_dim3A_8, %get3A_27 : vector<1x128xi1>, vector<1x128xi32>
      %swap3A = arith.constant 0 : index
      %swap3A_29 = arith.constant 0 : index
      %swap3A_30 = vector.load %arg5[%swap3A, %swap3A_29] : memref<1x128xi32, #tpu.memory_space<vmem>>, vector<1x128xi32>
      tpu.vector_store %arg5[%swap3A, %swap3A_29], %select_n3A_28 {strides = array<i32>} : memref<1x128xi32, #tpu.memory_space<vmem>>, vector<1x128xi32>,
      %get3A_31 = arith.constant 0 : index
      %get3A_32 = arith.constant 0 : index
      %get3A_33 = vector.load %arg4[%get3A_31, %get3A_32] : memref<1x128xf32, #tpu.memory_space<vmem>>, vector<1x128xf32>
      %select_n3A_34 = arith.select %gt3A_24, %broadcast_in_dim3A, %get3A_33 : vector<1x128xi1>, vector<1x128xf32>
      %swap3A_35 = arith.constant 0 : index
      %swap3A_36 = arith.constant 0 : index
      %swap3A_37 = vector.load %arg4[%swap3A_35, %swap3A_36] : memref<1x128xf32, #tpu.memory_space<vmem>>, vector<1x128xf32>
      tpu.vector_store %arg4[%swap3A_35, %swap3A_36], %select_n3A_34 {strides = array<i32>} : memref<1x128xf32, #tpu.memory_space<vmem>>, vector<1x128xf32>,
    } else {
    }
    %eq3A_16 = arith.constant 7 : i32
    %eq3A_17 = arith.cmpi eq, %arg0, %eq3A_16 : i32
    %convert_element_type3A_18 = arith.extui %eq3A_17 : i1 to i32
    %cond3A_19 = arith.constant 0 : i32
    %cond3A_20 = arith.cmpi ne, %convert_element_type3A_18, %cond3A_19 : i32
    scf.if %cond3A_20 {
      %get3A_21 = arith.constant 0 : index
      %get3A_22 = arith.constant 0 : index
      %get3A_23 = vector.load %arg4[%get3A_21, %get3A_22] : memref<1x128xf32, #tpu.memory_space<vmem>>, vector<1x128xf32>
      %swap3A = arith.constant 0 : index
      %swap3A_24 = arith.constant 0 : index
      %swap3A_25 = vector.load %arg2[%swap3A, %swap3A_24] : memref<1x128xf32, #tpu.memory_space<vmem>>, vector<1x128xf32>
      tpu.vector_store %arg2[%swap3A, %swap3A_24], %get3A_23 {strides = array<i32>} : memref<1x128xf32, #tpu.memory_space<vmem>>, vector<1x128xf32>,
      %get3A_26 = arith.constant 0 : index
      %get3A_27 = arith.constant 0 : index
      %get3A_28 = vector.load %arg5[%get3A_26, %get3A_27] : memref<1x128xi32, #tpu.memory_space<vmem>>, vector<1x128xi32>
      %swap3A_29 = arith.constant 0 : index
      %swap3A_30 = arith.constant 0 : index
      %swap3A_31 = vector.load %arg3[%swap3A_29, %swap3A_30] : memref<1x128xi32, #tpu.memory_space<vmem>>, vector<1x128xi32>
      tpu.vector_store %arg3[%swap3A_29, %swap3A_30], %get3A_28 {strides = array<i32>} : memref<1x128xi32, #tpu.memory_space<vmem>>, vector<1x128xi32>,
    } else {
    }
    return
  }
  func.func @transform_0(%arg0: i32) -> (i32, i32) {
    %c0_i32 = arith.constant 0 : i32
    %c0_i32_0 = arith.constant 0 : i32
    return %arg0, %c0_i32 : i32, i32
  }
  func.func @transform_1(%arg0: i32) -> (i32, i32) {
    %c0_i32 = arith.constant 0 : i32
    %c0_i32_0 = arith.constant 0 : i32
    %c0_i32_1 = arith.constant 0 : i32
    return %c0_i32, %c0_i32_0 : i32, i32
  }
  func.func @transform_2(%arg0: i32) -> (i32, i32) {
    %c0_i32 = arith.constant 0 : i32
    %c0_i32_0 = arith.constant 0 : i32
    %c0_i32_1 = arith.constant 0 : i32
    return %c0_i32, %c0_i32_0 : i32, i32
  }
}

</mosaic_0001>

<sc_bundles>
// kernel: kernel.5.cloned.1.call-start
scs
__scs_entry_jumppad:
0x0: {  	(pc) =	sbr.rel $0x88, $3  }
0x1: {  	(tag) =	ssettag $0x0;
	lr =	simm.s32 $0x1  }
0x2: {  	[smem:$0x3FA0] =	sst lr;
	_ =	strace $0xD0000000  }
0x3: {  	_ = 	snop  }
0x4: {  	_ = 	snop  }
0x5: {  	_ = 	snop  }
0x6: {  	_ = 	snop  }
0x7: {  	_ = 	snop  }
__scs_overlays_trampoline_lowered:
0x8: {  	[smem:$0x3FAF] =	sst s0  }
0x9: {  	[smem:$0x3FB0] =	sst s1  }
0xa: {  	[smem:$0x3FB1] =	sst s2  }
0xb: {  	[smem:$0x3FB2] =	sst s3  }
0xc: {  	[smem:$0x3FB3] =	sst s4  }
0xd: {  	[smem:$0x3FB4] =	sst s5  }
0xe: {  	[smem:$0x3FB5] =	sst s6  }
0xf: {  	[smem:$0x3FB6] =	sst s7  }
0x10: {  	[smem:$0x3FB7] =	sst s8  }
0x11: {  	[smem:$0x3FB8] =	sst s9;
	s0 =	simm.s32 @!p0 $0x0  }
0x12: {  	s1 =	sld [smem:$0x3F9E];
	s0 =	simm.s32 @p0 $0x1  }
0x13: {  	[smem:$0x3FB9] =	sst s0;
	s0 =	simm.s32 @!p1 $0x0  }
0x14: {  	s2 =	sld [smem:$0x3F9D];
	s0 =	simm.s32 @p1 $0x1  }
0x15: {  	[smem:$0x3FBA] =	sst s0;
	s0 =	simm.s32 @!p2 $0x0  }
0x16: {  	s3 =	sld [smem:$0x3FDB];
	s0 =	simm.s32 @p2 $0x1  }
0x17: {  	s4 =	simm.s32 $0x1BF5;
	[smem:$0x3FBC] =	sst s0  }
0x18: {  	s0 =	sld [smem:$0x3F9F];
	_ =	swait.ge [sflag:s4], $0x0  }
0x19: {  	s7 =	sld [smem:$0x3FA0]  }
0x1a: {  	s8 =	sadd.s32 $0xFFFFE003, lr  }
0x1b: {  	s9 =	sadd.s32 $0xFFFFFEF7, lr;
	s5 =	simm.s32 $0xFFFFFFFF;
	p2 =	slt.u32 s8, $0xFFFFF086  }
0x1c: {  	p1 =	slt.u32 s9, $0xF7A;
	s5 =	simm.s32 @!p2 $0x0  }
0x1d: {  	s5 =	simm.s32 @p1 $0x1;
	p0 =	seq.s32 s7, s2  }
0x1e: {  	s7 =	smul.u32 @!p0 $0xF7A, s2;
	p2 =	seq.s32 @!p0 s5, $0x0  }
0x1f: {  	s9 =	smul.u32 $0xF7A, s1;
	s8 =	simm.s32 @!p0 $0x1BF5;
	p2 =	por !p2, p0  }
0x20: {  	[sflag:s8] =	ssyncset.s32 @!p0 $0xFFFFF086;
	s6 =	sadd.s32 @!p0 s3, s7;
	s7 =	simm.s32 @!p0 $0x108  }
0x21: {  	s3 =	sadd.s32 s3, s9;
	s6 =	sadd.s32 @!p0 $0x88, s6;
	s7 =	simm.s32 @p2 $0x1082  }
0x22: {  	[simem:s7], [sflag:s8] =	dma.local @!p0 [hbm:s6], $0xF7A  }
0x23: {  	s9 =	sor.u32 $0xD0000000, s2;
	s6 =	simm.s32 $0x108;
	_ =	swait.ge @!p0 [sflag:s8], $0x0  }
0x24: {  	s3 =	sadd.s32 $0x88, s3;
	s6 =	simm.s32 @!p1 $0x1082;
	[sflag:s4] =	ssyncset.s32 $0xFFFFF086  }
0x25: {  	[simem:s6], [sflag:s4] =	dma.local [hbm:s3], $0xF7A  }
0x26: {  	[smem:$0x3FA0] =	sst s1;
	(tag) =	ssettag s2;
	_ =	strace s9  }
0x27: {  	s1 =	sld [smem:$0x3FB0]  }
0x28: {  	s2 =	sld [smem:$0x3FB1]  }
0x29: {  	s4 =	sld [smem:$0x3FB3]  }
0x2a: {  	p0 =	seq.s32 s5, $0x0;
	s5 =	sld [smem:$0x3FB4]  }
0x2b: {  	s6 =	sld [smem:$0x3FB5]  }
0x2c: {  	s7 =	sld [smem:$0x3FB6]  }
0x2d: {  	s3 =	simm.s32 $0x108;
	s8 =	sld [smem:$0x3FB7]  }
0x2e: {  	s3 =	simm.s32 @!p0 $0x1082;
	s9 =	sld [smem:$0x3FB8]  }
0x2f: {  	lr =	sadd.s32 s0, s3;
	s0 =	sld [smem:$0x3FAF]  }
0x30: {  	s3 =	sld [smem:$0x3FB2]  }
0x31: {  	[smem:$0x3FBB] =	sst s10  }
0x32: {  	s10 =	sld [smem:$0x3FB9];
	_ =	sdelay $0x3  }
0x33: {  	p0 =	seq.s32 s10, $0x1;
	s10 =	sld [smem:$0x3FBB];
	_ =	sdelay $0x3  }
0x34: {  	[smem:$0x3FBB] =	sst s10  }
0x35: {  	s10 =	sld [smem:$0x3FBA];
	_ =	sdelay $0x3  }
0x36: {  	p1 =	seq.s32 s10, $0x1;
	s10 =	sld [smem:$0x3FBB];
	_ =	sdelay $0x3  }
0x37: {  	[smem:$0x3FBB] =	sst s10  }
0x38: {  	s10 =	sld [smem:$0x3FBC]  }
0x39: {  	_ = 	snop;
	(pc) =	sbr.ind lr, $3  }
0x3a: {  	_ = 	snop  }
0x3b: {  	_ = 	snop  }
0x3c: {  	p2 =	seq.s32 s10, $0x1;
	s10 =	sld [smem:$0x3FBB]  }
0x3d: {  	_ =	shalt  }
0x3e: {  	_ =	shalt  }
0x3f: {  	_ =	shalt  }
0x40: {  	_ =	shalt  }
0x41: {  	_ =	shalt  }
0x42: {  	_ =	shalt  }
0x43: {  	_ =	shalt  }
0x44: {  	_ =	shalt  }
0x45: {  	_ =	shalt  }
0x46: {  	_ =	shalt  }
0x47: {  	_ =	shalt  }
0x48: {  	_ =	shalt  }
0x49: {  	_ =	shalt  }
0x4a: {  	_ =	shalt  }
0x4b: {  	_ =	shalt  }
0x4c: {  	_ =	shalt  }
0x4d: {  	_ =	shalt  }
0x4e: {  	_ =	shalt  }
0x4f: {  	_ =	shalt  }
0x50: {  	_ =	shalt  }
0x51: {  	_ =	shalt  }
0x52: {  	_ =	shalt  }
0x53: {  	_ =	shalt  }
0x54: {  	_ =	shalt  }
0x55: {  	_ =	shalt  }
0x56: {  	_ =	shalt  }
0x57: {  	_ =	shalt  }
0x58: {  	_ =	shalt  }
0x59: {  	_ =	shalt  }
0x5a: {  	_ =	shalt  }
0x5b: {  	_ =	shalt  }
0x5c: {  	_ =	shalt  }
0x5d: {  	_ =	shalt  }
0x5e: {  	_ =	shalt  }
0x5f: {  	_ =	shalt  }
0x60: {  	_ =	shalt  }
0x61: {  	_ =	shalt  }
0x62: {  	_ =	shalt  }
0x63: {  	_ =	shalt  }
0x64: {  	_ =	shalt  }
0x65: {  	_ =	shalt  }
0x66: {  	_ =	shalt  }
0x67: {  	_ =	shalt  }
0x68: {  	_ =	shalt  }
0x69: {  	_ =	shalt  }
0x6a: {  	_ =	shalt  }
0x6b: {  	_ =	shalt  }
0x6c: {  	_ =	shalt  }
0x6d: {  	_ =	shalt  }
0x6e: {  	_ =	shalt  }
0x6f: {  	_ =	shalt  }
0x70: {  	_ =	shalt  }
0x71: {  	_ =	shalt  }
0x72: {  	_ =	shalt  }
0x73: {  	_ =	shalt  }
0x74: {  	_ =	shalt  }
0x75: {  	_ =	shalt  }
0x76: {  	_ =	shalt  }
0x77: {  	_ =	shalt  }
0x78: {  	_ =	shalt  }
0x79: {  	_ =	shalt  }
0x7a: {  	_ =	shalt  }
0x7b: {  	_ =	shalt  }
0x7c: {  	_ =	shalt  }
0x7d: {  	_ =	shalt  }
0x7e: {  	_ =	shalt  }
0x7f: {  	_ =	shalt  }
0x80: {  	_ =	shalt  }
0x81: {  	_ =	shalt  }
0x82: {  	_ =	shalt  }
0x83: {  	_ =	shalt  }
0x84: {  	_ =	shalt  }
0x85: {  	_ =	shalt  }
0x86: {  	_ =	shalt  }
0x87: {  	_ =	shalt  }
.Lfunc_end0:
.L_simem_size_0:
called_computation_lowered:
.L_overlay_start_0:
0x88: {  	s2 =	sld [smem:$0x3FD9]  }
0x89: {  	s3 =	sld [smem:$0x3FFE];
	_ =	sdelay $0x1  }
0x8a: {  	s1 =	srdreg.scid  }
0x8b: {  	s0 =	sand.u32 $0x1, s1  }
0x8c: {  	s17 =	sshll.u32 s0, $0xA;
	s2 =	sadd.s32 s3, s2  }
0x8d: {  	s2 =	sadd.s32 s2, s17  }
0x8e: {  	[smem:$0x3FC7] =	sst s2  }
0x8f: {  	_ = 	snop  }
0x90: {  	s2 =	sld [smem:$0x3FC9];
	(tm) =	ssettm $0x1  }
0x91: {  	s18 =	sld [smem:$0x3FFB];
	_ =	sdelay $0x3  }
0x92: {  	_ =	strace s18  }
0x93: {  	s3 =	sld [smem:$0x3FFC];
	_ =	sdelay $0x3  }
0x94: {  	_ =	strace s3  }
0x95: {  	s3 =	sld [smem:$0x3FFD];
	_ =	sdelay $0x3  }
0x96: {  	_ =	strace s3  }
0x97: {  	_ =	strace $0x8FFFFFFF  }
0x98: {  	s19 =	sld [smem:$0x3FDB];
	_ =	sdelay $0x1  }
0x99: {  	s4 =	simm.s32 $_scs_section_size  }
0x9a: {  	s5 =	simm.s32 $_size__tile_overlayer_lowered;
	s6 =	simm.s32 $_tile_overlayer_lowered  }
0x9b: {  	s22 =	simm.s32 $0x1BFF;
	s21 =	sshll.u32 s6, $0x1;
	s3 =	sadd.s32 s4, s19  }
0x9c: {  	s7 =	simm.s32 $0x0;
	s20 =	sshll.u32 s5, $0x1;
	s5 =	sadd.s32 s21, s3  }
0x9d: {  	[timem:s7], [sflag:s22] =	dma.local [hbm:s5], s20  }
0x9e: {  	_ =	swait.ge [sflag:s22], s20  }
0x9f: {  	s4 =	ssub.s32 $0x0, s20;
	[sflag:s22] =	ssyncset.done $0x0  }
0xa0: {  	[sflag:s22] =	ssyncadd.s32 s4;
	_ =	sdelay $0x1  }
0xa1: {  	s23 =	simm.s32 $0x1B8B  }
0xa2: {  	_ =	swait.ge [sflag:s23], $0x1  }
0xa3: {  	[sflag:s23] =	ssyncset.done $0x0  }
0xa4: {  	s25 =	simm.s32 $0x1B8E;
	s24 =	sld [smem:$0x3FFE];
	[sflag:s23] =	ssyncadd.s32 $0xFFFFFFFF  }
0xa5: {  	s26 =	simm.s32 $execute0_lowered;
	[smem:$0x3FD2] =	sst s25  }
0xa6: {  	s5 =	sshll.u32 s26, $0x1;
	_ =	strace $0x80000046;
	[dreg:$0x1] =	wrdreg $0xFFFFFFFF  }
0xa7: {  	s28 =	simm.s32 $_size_execute0_lowered;
	s3 =	sadd.s32 s3, s5;
	[dreg:$0x0] =	wrdreg $0x0  }
0xa8: {  	s5 =	sshll.u32 s28, $0x1;
	[dreg:$0x2] =	wrdreg s3  }
0xa9: {  	[dreg:$0x3] =	wrdreg s5  }
0xaa: {  	[dreg:$0x4] =	wrdreg $0xC0  }
0xab: {  	_ =	task [dreg:s7], $0x5FFFF  }
0xac: {  	[dreg:$0x1] =	wrdreg $0xFFFFFFFF  }
0xad: {  	[dreg:$0x0] =	wrdreg $0x60  }
0xae: {  	[dreg:$0x2] =	wrdreg s2  }
0xaf: {  	[dreg:$0x3] =	wrdreg s24  }
0xb0: {  	[dreg:$0x4] =	wrdreg $0x9  }
0xb1: {  	_ =	task.clear_ibuf [dreg:s7], $0x5FFFF;
	_ =	strace $0x90000046  }
0xb2: {  	s29 =	simm.s32 $0x9;
	_ =	strace $0x80000048  }
0xb3: {  	_ =	swait.ge [sflag:s29], $0x1  }
0xb4: {  	[sflag:s29] =	ssyncadd.s32 $0xFFFFFFFF  }
0xb5: {  	_ =	strace $0x90000048  }
0xb6: {  	_ =	sfence  }
0xb7: {  	s30 =	sld [smem:$0x0];
	_ =	sdelay $0x2  }
0xb8: {  	s31 =	sshll.u32 s1, $0xD;
	s1 =	sshrl.u32 s1, $0x2  }
0xb9: {  	s3 =	sand.u32 $0x4000, s31;
	s1 =	sadd.s32 s1, s30  }
0xba: {  	s0 =	sor.u32 s3, s0;
	s1 =	sshll.u32 s1, $0x11  }
0xbb: {  	s0 =	sor.u32 s1, s0  }
0xbc: {  	s0 =	sadd.s32 $0x8F2B, s0  }
0xbd: {  	[sflag:s0] =	ssyncadd.remote.s32 $0x1  }
0xbe: {  	_ =	sfence.sel $0xFFFF  }
0xbf: {  	[dreg:$0x0] =	wrdreg $0xFFFFFFFF;
	(pc) =	sbr.abs _section_cstart, $3  }
0xc0: {  	[dreg:$0x1] =	wrdreg $0xFFFFFFFF  }
0xc1: {  	_ =	task.clear_ibuf [dreg:s7], $0x2FFFF;
	_ =	strace $0x9FFFFFFF  }
0xc2: {  	(tm) =	ssettm $0x7FFFFFFF  }
0xc3: {  	_ =	shalt  }
tec
execute0_lowered:
.L_overlay_start_1:
0x0: {  	(tag) =	ssettag $0x1  }
0x1: {  	s5 =	rddreg [dreg:$0x0]  }
0x2: {  	s0 =	srdreg.scid;
	s3 =	rddreg [dreg:$0x1]  }
0x3: {  	s1 =	stileid.u32;
	s2 =	simm.s32 $0x0;
	s17 =	simm.s32 $0xA000  }
0x4: {  	s18 =	simm.s32 $0x14000;
	s19 =	simm.s32 $0x1;
	s20 =	simm.s32 $0x2  }
0x5: {  	s21 =	simm.s32 $0x3;
	s22 =	simm.s32 $0x15000;
	s23 =	simm.s32 $0x4  }
0x6: {  	s24 =	simm.s32 $0x15080;
	s4 =	sand.u32 $0x1, s0;
	s0 =	rddreg [dreg:$0x2]  }
0x7: {  	s25 =	simm.s32 $0x0;
	[smem:$0x7FF] =	sst s2;
	s8 =	sshll.u32 s1, $0x4  }
0x8: {  	s13 =	smul.u32 $0x640, s1;
	s6 =	sshll.u32 s4, $0x4;
	s8 =	sand.u32 $0x70, s8  }
0x9: {  	s30 =	ssub.s32 $0x2, s4;
	s12 =	smul.u32 $0x6400, s4;
	s6 =	sor.u32 s1, s6  }
0xa: {  	_ =	strace $0x80000047;
	s31 =	sshrl.u32 s30, $0x1;
	s7 =	sshll.u32 s6, $0x4  }
0xb: {  	s6 =	smul.u32 $0x6400, s6;
	s11 =	ssub.s32 s30, s31;
	s16 =	sadd.s32 s13, s12  }
0xc: {  	s7 =	sand.u32 $0x180, s7;
	s11 =	smax.u32 s11, $0x1;
	s12 =	sadd.s32 $0xBE80, s16  }
0xd: {  	s13 =	sadd.s32 $0xBFC0, s16;
	s14 =	sadd.s32 $0xC100, s16;
	s15 =	sadd.s32 $0xC240, s16  }
0xe: {  	s16 =	sadd.s32 $0xC380, s16;
	s7 =	sor.u32 s8, s7;
	s9 =	sadd.s32 s5, s6  }
0xf: {  	s5 =	sadd.s32 $0x186800, s5;
	s10 =	sadd.s32 s7, s3;
	s3 =	sadd.s32 $0xBE800, s9  }
0x10: {  	s4 =	sadd.s32 $0xBFC00, s9;
	s6 =	sadd.s32 $0xC1000, s9;
	s7 =	sadd.s32 $0xC2400, s9  }
0x11: {  	s8 =	sadd.s32 $0xC3800, s9;
	s9 =	sadd.s32 $0xE00, s10;
	s10 =	sadd.s32 $0x1000, s10  }
.LBB2_1:
0x12: {  	[tilespmem:s2], [sflag:$0x1] =	stream.linear.gather [hbm4b:s3+s2], $0xA000, $0x38;
	[tilespmem:$0x15100] =	vst v63  }
0x13: {  	_ = 	snop  }
0x14: {  	[tilespmem:s17], [sflag:$0x2] =	stream.linear.gather [hbm4b:s4+s2], $0xA000, $0x38;
	[tilespmem:$0x15100] =	vst v63  }
0x15: {  	_ = 	snop  }
0x16: {  	[tilespmem:s18], [sflag:$0x3] =	stream.linear.gather [hbm4b:s5+s2], $0x1000, $0x38;
	[tilespmem:$0x15100] =	vst v63  }
0x17: {  	_ =	swait.ge [sflag:s19], $0xA000  }
0x18: {  	[sflag:s19] =	ssyncset.done $0x0  }
0x19: {  	s26 =	simm.s32 $0x40;
	[sflag:s19] =	ssyncadd.s32 $0xFFFF6000  }
0x1a: {  	v2 =	vld [tilespmem:s26+$0xFFFFFFC0]  }
0x1b: {  	v4 =	vld [tilespmem:s26+$0xFFFFFFD0]  }
0x1c: {  	v6 =	vld [tilespmem:s26+$0xFFFFFFE0]  }
0x1d: {  	v7 =	vld [tilespmem:s26+$0xFFFFFFF0]  }
0x1e: {  	v8 =	vld [tilespmem:s26+$0x0]  }
0x1f: {  	v10 =	vld [tilespmem:s26+$0x10]  }
0x20: {  	v11 =	vld [tilespmem:s26+$0x20];
	_ =	sdelay $0x1  }
0x21: {  	v12 =	vimm.f32 $-Inf;
	s29 =	simm.s32 $0xC0;
	v13 =	vld [tilespmem:s26+$0x30]  }
0x22: {  	v0 =	vimm.s32 $0x0;
	v22 =	vld [tilespmem:s29+$0xFFFFFFC0];
	vm0 =	vgt.f32 v2, v12;
	vm1 =	vgt.f32 v4, v12  }
0x23: {  	v1 =	vld [tilespmem:s29+$0xFFFFFFD0];
	vm2 =	vgt.f32 v6, v12;
	vm3 =	vgt.f32 v7, v12;
	vm4 =	vgt.f32 v8, v12  }
0x24: {  	s26 =	sadd.s32 $0x0, s12;
	v23 =	vld [tilespmem:s29+$0xFFFFFFE0];
	vm5 =	vgt.f32 v10, v12;
	vm6 =	vgt.f32 v11, v12;
	v3 =	vsel vm0, v2, v12  }
0x25: {  	v16 =	vld [tilespmem:s29+$0x0];
	v5 =	vsel vm0, s26, v0;
	v4 =	vsel vm1, v4, v12;
	v6 =	vsel vm2, v6, v12  }
0x26: {  	v9 =	vld [tilespmem:s29+$0x10];
	v7 =	vsel vm3, v7, v12;
	v8 =	vsel vm4, v8, v12;
	vm0 =	vgt.f32 v13, v12  }
0x27: {  	v2 =	vld [tilespmem:s29+$0xFFFFFFF0];
	v10 =	vsel vm5, v10, v12;
	v11 =	vsel vm6, v11, v12;
	v14 =	vsel vm2, s26, v0  }
0x28: {  	v20 =	vld [tilespmem:s29+$0x20];
	v15 =	vsel vm3, s26, v0;
	v17 =	vsel vm4, s26, v0;
	v18 =	vsel vm5, s26, v0  }
0x29: {  	s28 =	simm.s32 $0x1;
	s30 =	simm.s32 $0x2;
	v21 =	vld [tilespmem:s29+$0x30];
	s29 =	simm.s32 $0x140;
	v19 =	vsel vm6, s26, v0;
	v12 =	vsel vm0, v13, v12;
	v13 =	vsel vm1, s26, v0  }
.LBB2_2:
0x2a: {  	v24 =	vld [tilespmem:s29+$0xFFFFFFC0];
	p0 =	sne.s32 s30, $0x13F;
	vm1 =	vgt.f32 v22, v3;
	vm2 =	vgt.f32 v1, v4;
	v0 =	vsel vm0, s26, v0;
	s26 =	sadd.s32 s28, s12;
	s28 =	smov.u32 s30  }
0x2b: {  	v3 =	vsel vm1, v22, v3;
	v5 =	vsel vm1, s26, v5;
	v4 =	vsel vm2, v1, v4;
	v1 =	vld [tilespmem:s29+$0xFFFFFFD0]  }
0x2c: {  	vm3 =	vgt.f32 v2, v7;
	vm1 =	vgt.f32 v23, v6;
	vm4 =	vgt.f32 v16, v8;
	v25 =	vld [tilespmem:s29+$0xFFFFFFE0]  }
.Ltmp0:
0x2d: {  	v7 =	vsel vm3, v2, v7;
	v6 =	vsel vm1, v23, v6;
	v8 =	vsel vm4, v16, v8;
	v2 =	vld [tilespmem:s29+$0xFFFFFFF0];
	(pc) =	sbr.rel @p0 .LBB2_2-.Ltmp0, $4  }
0x2e: {  	vm5 =	vgt.f32 v9, v10;
	vm6 =	vgt.f32 v20, v11;
	v16 =	vld [tilespmem:s29+$0x0];
	vm0 =	vgt.f32 v21, v12  }
0x2f: {  	v10 =	vsel vm5, v9, v10;
	v11 =	vsel vm6, v20, v11;
	v9 =	vld [tilespmem:s29+$0x10];
	v12 =	vsel vm0, v21, v12;
	v22 =	vmovc v24  }
0x30: {  	v13 =	vsel vm2, s26, v13;
	v15 =	vsel vm3, s26, v15;
	v14 =	vsel vm1, s26, v14;
	v20 =	vld [tilespmem:s29+$0x20]  }
0x31: {  	s30 =	sadd.s32 $0x1, s30;
	v17 =	vsel vm4, s26, v17;
	v18 =	vsel vm5, s26, v18;
	v19 =	vsel vm6, s26, v19;
	v21 =	vld [tilespmem:s29+$0x30];
	s29 =	sadd.s32 $0x80, s29;
	v23 =	vmovc v25  }
0x32: {  	s29 =	simm.s32 $0x0  }
0x33: {  	[tilespmem:s29], [sflag:$0x1] =	stream.linear.gather [hbm4b:s6+s29], $0xA000, $0x38;
	[tilespmem:$0x15100] =	vst v63  }
0x34: {  	_ =	swait.ge [sflag:s20], $0xA000  }
0x35: {  	[sflag:s20] =	ssyncset.done $0x0  }
0x36: {  	s29 =	simm.s32 $0xA040;
	[sflag:s20] =	ssyncadd.s32 $0xFFFF6000  }
0x37: {  	v24 =	vld [tilespmem:s29+$0xFFFFFFC0]  }
0x38: {  	vm1 =	vgt.f32 v22, v3;
	vm2 =	vgt.f32 v1, v4;
	v0 =	vsel vm0, s26, v0;
	v25 =	vld [tilespmem:s29+$0xFFFFFFD0]  }
0x39: {  	s28 =	sadd.s32 s28, s12;
	vm0 =	vgt.f32 v23, v6;
	v3 =	vsel vm1, v22, v3;
	vm3 =	vgt.f32 v16, v8;
	v26 =	vld [tilespmem:s29+$0xFFFFFFE0]  }
0x3a: {  	v5 =	vsel vm1, s28, v5;
	v4 =	vsel vm2, v1, v4;
	v8 =	vsel vm3, v16, v8;
	v16 =	vld [tilespmem:s29+$0xFFFFFFF0]  }
0x3b: {  	vm1 =	vgt.f32 v2, v7;
	v6 =	vsel vm0, v23, v6;
	vm5 =	vgt.f32 v20, v11;
	v27 =	vld [tilespmem:s29+$0x0]  }
0x3c: {  	v13 =	vsel vm2, s28, v13;
	vm6 =	vgt.f32 v21, v12;
	v11 =	vsel vm5, v20, v11;
	v20 =	vld [tilespmem:s29+$0x10]  }
0x3d: {  	v14 =	vsel vm0, s28, v14;
	v7 =	vsel vm1, v2, v7;
	v12 =	vsel vm6, v21, v12;
	v21 =	vld [tilespmem:s29+$0x20]  }
0x3e: {  	vm4 =	vgt.f32 v9, v10;
	v15 =	vsel vm1, s28, v15;
	v17 =	vsel vm3, s28, v17  }
0x3f: {  	v10 =	vsel vm4, v9, v10;
	v18 =	vsel vm4, s28, v18;
	v19 =	vsel vm5, s28, v19;
	v28 =	vld [tilespmem:s29+$0x30];
	s29 =	simm.s32 $0xA0C0  }
0x40: {  	v0 =	vsel vm6, s28, v0;
	v22 =	vld [tilespmem:s29+$0xFFFFFFC0];
	vm0 =	vgt.f32 v24, v3;
	vm1 =	vgt.f32 v25, v4  }
0x41: {  	v1 =	vld [tilespmem:s29+$0xFFFFFFD0];
	vm2 =	vgt.f32 v26, v6;
	vm3 =	vgt.f32 v16, v7;
	vm13 =	vgt.f32 v27, v8  }
0x42: {  	s26 =	sadd.s32 $0x0, s13;
	v23 =	vld [tilespmem:s29+$0xFFFFFFE0];
	vm14 =	vgt.f32 v20, v10;
	vm15 =	vgt.f32 v21, v11;
	v3 =	vsel vm0, v24, v3  }
0x43: {  	v2 =	vld [tilespmem:s29+$0xFFFFFFF0];
	v5 =	vsel vm0, s26, v5;
	v4 =	vsel vm1, v25, v4;
	v6 =	vsel vm2, v26, v6  }
0x44: {  	v9 =	vld [tilespmem:s29+$0x10];
	v7 =	vsel vm3, v16, v7;
	v8 =	vsel vm13, v27, v8;
	vm0 =	vgt.f32 v28, v12  }
0x45: {  	v16 =	vld [tilespmem:s29+$0x0];
	v10 =	vsel vm14, v20, v10;
	v11 =	vsel vm15, v21, v11;
	v13 =	vsel vm1, s26, v13  }
0x46: {  	v20 =	vld [tilespmem:s29+$0x20];
	v14 =	vsel vm2, s26, v14;
	v15 =	vsel vm3, s26, v15;
	v17 =	vsel vm13, s26, v17  }
0x47: {  	s30 =	simm.s32 $0x2;
	s28 =	simm.s32 $0x1;
	v21 =	vld [tilespmem:s29+$0x30];
	s29 =	simm.s32 $0xA140;
	v18 =	vsel vm14, s26, v18;
	v19 =	vsel vm15, s26, v19;
	v12 =	vsel vm0, v28, v12  }
.LBB2_4:
0x48: {  	v24 =	vld [tilespmem:s29+$0xFFFFFFC0];
	p0 =	sne.s32 s30, $0x13F;
	vm1 =	vgt.f32 v22, v3;
	vm2 =	vgt.f32 v1, v4;
	v0 =	vsel vm0, s26, v0;
	s26 =	sadd.s32 s28, s13;
	s28 =	smov.u32 s30  }
0x49: {  	v3 =	vsel vm1, v22, v3;
	v5 =	vsel vm1, s26, v5;
	v4 =	vsel vm2, v1, v4;
	v1 =	vld [tilespmem:s29+$0xFFFFFFD0]  }
0x4a: {  	vm3 =	vgt.f32 v2, v7;
	vm1 =	vgt.f32 v23, v6;
	vm4 =	vgt.f32 v16, v8;
	v25 =	vld [tilespmem:s29+$0xFFFFFFE0]  }
.Ltmp1:
0x4b: {  	v7 =	vsel vm3, v2, v7;
	v6 =	vsel vm1, v23, v6;
	v8 =	vsel vm4, v16, v8;
	v2 =	vld [tilespmem:s29+$0xFFFFFFF0];
	(pc) =	sbr.rel @p0 .LBB2_4-.Ltmp1, $4  }
0x4c: {  	vm5 =	vgt.f32 v9, v10;
	vm6 =	vgt.f32 v20, v11;
	v16 =	vld [tilespmem:s29+$0x0];
	vm0 =	vgt.f32 v21, v12  }
0x4d: {  	v10 =	vsel vm5, v9, v10;
	v11 =	vsel vm6, v20, v11;
	v9 =	vld [tilespmem:s29+$0x10];
	v12 =	vsel vm0, v21, v12;
	v22 =	vmovc v24  }
0x4e: {  	v13 =	vsel vm2, s26, v13;
	v15 =	vsel vm3, s26, v15;
	v14 =	vsel vm1, s26, v14;
	v20 =	vld [tilespmem:s29+$0x20]  }
0x4f: {  	s30 =	sadd.s32 $0x1, s30;
	v17 =	vsel vm4, s26, v17;
	v18 =	vsel vm5, s26, v18;
	v19 =	vsel vm6, s26, v19;
	v21 =	vld [tilespmem:s29+$0x30];
	s29 =	sadd.s32 $0x80, s29;
	v23 =	vmovc v25  }
0x50: {  	s29 =	simm.s32 $0x0  }
0x51: {  	[tilespmem:s17], [sflag:$0x2] =	stream.linear.gather [hbm4b:s7+s29], $0xA000, $0x38;
	[tilespmem:$0x15100] =	vst v63  }
0x52: {  	_ =	swait.ge [sflag:s19], $0xA000  }
0x53: {  	[sflag:s19] =	ssyncset.done $0x0  }
0x54: {  	s29 =	simm.s32 $0x40;
	[sflag:s19] =	ssyncadd.s32 $0xFFFF6000  }
0x55: {  	v24 =	vld [tilespmem:s29+$0xFFFFFFC0]  }
0x56: {  	vm1 =	vgt.f32 v22, v3;
	vm2 =	vgt.f32 v1, v4;
	v0 =	vsel vm0, s26, v0;
	v25 =	vld [tilespmem:s29+$0xFFFFFFD0]  }
0x57: {  	s28 =	sadd.s32 s28, s13;
	vm0 =	vgt.f32 v23, v6;
	v3 =	vsel vm1, v22, v3;
	vm3 =	vgt.f32 v16, v8;
	v26 =	vld [tilespmem:s29+$0xFFFFFFE0]  }
0x58: {  	v5 =	vsel vm1, s28, v5;
	v4 =	vsel vm2, v1, v4;
	v8 =	vsel vm3, v16, v8;
	v16 =	vld [tilespmem:s29+$0xFFFFFFF0]  }
0x59: {  	vm1 =	vgt.f32 v2, v7;
	v6 =	vsel vm0, v23, v6;
	vm5 =	vgt.f32 v20, v11;
	v27 =	vld [tilespmem:s29+$0x0]  }
0x5a: {  	v13 =	vsel vm2, s28, v13;
	vm6 =	vgt.f32 v21, v12;
	v11 =	vsel vm5, v20, v11;
	v20 =	vld [tilespmem:s29+$0x10]  }
0x5b: {  	v14 =	vsel vm0, s28, v14;
	v7 =	vsel vm1, v2, v7;
	v12 =	vsel vm6, v21, v12;
	v21 =	vld [tilespmem:s29+$0x20]  }
0x5c: {  	vm4 =	vgt.f32 v9, v10;
	v15 =	vsel vm1, s28, v15;
	v17 =	vsel vm3, s28, v17  }
0x5d: {  	v10 =	vsel vm4, v9, v10;
	v18 =	vsel vm4, s28, v18;
	v19 =	vsel vm5, s28, v19;
	v28 =	vld [tilespmem:s29+$0x30];
	s29 =	simm.s32 $0xC0  }
0x5e: {  	v0 =	vsel vm6, s28, v0;
	v22 =	vld [tilespmem:s29+$0xFFFFFFC0];
	vm0 =	vgt.f32 v24, v3;
	vm1 =	vgt.f32 v25, v4  }
0x5f: {  	v1 =	vld [tilespmem:s29+$0xFFFFFFD0];
	vm2 =	vgt.f32 v26, v6;
	vm3 =	vgt.f32 v16, v7;
	vm13 =	vgt.f32 v27, v8  }
0x60: {  	s26 =	sadd.s32 $0x0, s14;
	v23 =	vld [tilespmem:s29+$0xFFFFFFE0];
	vm14 =	vgt.f32 v20, v10;
	vm15 =	vgt.f32 v21, v11;
	v3 =	vsel vm0, v24, v3  }
0x61: {  	v2 =	vld [tilespmem:s29+$0xFFFFFFF0];
	v5 =	vsel vm0, s26, v5;
	v4 =	vsel vm1, v25, v4;
	v6 =	vsel vm2, v26, v6  }
0x62: {  	v9 =	vld [tilespmem:s29+$0x10];
	v7 =	vsel vm3, v16, v7;
	v8 =	vsel vm13, v27, v8;
	vm0 =	vgt.f32 v28, v12  }
0x63: {  	v16 =	vld [tilespmem:s29+$0x0];
	v10 =	vsel vm14, v20, v10;
	v11 =	vsel vm15, v21, v11;
	v13 =	vsel vm1, s26, v13  }
0x64: {  	v20 =	vld [tilespmem:s29+$0x20];
	v14 =	vsel vm2, s26, v14;
	v15 =	vsel vm3, s26, v15;
	v17 =	vsel vm13, s26, v17  }
0x65: {  	s30 =	simm.s32 $0x2;
	s28 =	simm.s32 $0x1;
	v21 =	vld [tilespmem:s29+$0x30];
	s29 =	simm.s32 $0x140;
	v18 =	vsel vm14, s26, v18;
	v19 =	vsel vm15, s26, v19;
	v12 =	vsel vm0, v28, v12  }
.LBB2_6:
0x66: {  	v24 =	vld [tilespmem:s29+$0xFFFFFFC0];
	p0 =	sne.s32 s30, $0x13F;
	vm1 =	vgt.f32 v22, v3;
	vm2 =	vgt.f32 v1, v4;
	v0 =	vsel vm0, s26, v0;
	s26 =	sadd.s32 s28, s14;
	s28 =	smov.u32 s30  }
0x67: {  	v3 =	vsel vm1, v22, v3;
	v5 =	vsel vm1, s26, v5;
	v4 =	vsel vm2, v1, v4;
	v1 =	vld [tilespmem:s29+$0xFFFFFFD0]  }
0x68: {  	vm3 =	vgt.f32 v2, v7;
	vm1 =	vgt.f32 v23, v6;
	vm4 =	vgt.f32 v16, v8;
	v25 =	vld [tilespmem:s29+$0xFFFFFFE0]  }
.Ltmp2:
0x69: {  	v7 =	vsel vm3, v2, v7;
	v6 =	vsel vm1, v23, v6;
	v8 =	vsel vm4, v16, v8;
	v2 =	vld [tilespmem:s29+$0xFFFFFFF0];
	(pc) =	sbr.rel @p0 .LBB2_6-.Ltmp2, $4  }
0x6a: {  	vm5 =	vgt.f32 v9, v10;
	vm6 =	vgt.f32 v20, v11;
	v16 =	vld [tilespmem:s29+$0x0];
	vm0 =	vgt.f32 v21, v12  }
0x6b: {  	v10 =	vsel vm5, v9, v10;
	v11 =	vsel vm6, v20, v11;
	v9 =	vld [tilespmem:s29+$0x10];
	v12 =	vsel vm0, v21, v12;
	v22 =	vmovc v24  }
0x6c: {  	v13 =	vsel vm2, s26, v13;
	v15 =	vsel vm3, s26, v15;
	v14 =	vsel vm1, s26, v14;
	v20 =	vld [tilespmem:s29+$0x20]  }
0x6d: {  	s30 =	sadd.s32 $0x1, s30;
	v17 =	vsel vm4, s26, v17;
	v18 =	vsel vm5, s26, v18;
	v19 =	vsel vm6, s26, v19;
	v21 =	vld [tilespmem:s29+$0x30];
	s29 =	sadd.s32 $0x80, s29;
	v23 =	vmovc v25  }
0x6e: {  	s29 =	simm.s32 $0x0  }
0x6f: {  	[tilespmem:s29], [sflag:$0x1] =	stream.linear.gather [hbm4b:s8+s29], $0xA000, $0x38;
	[tilespmem:$0x15100] =	vst v63  }
0x70: {  	_ =	swait.ge [sflag:s20], $0xA000  }
0x71: {  	[sflag:s20] =	ssyncset.done $0x0  }
0x72: {  	s29 =	simm.s32 $0xA040;
	[sflag:s20] =	ssyncadd.s32 $0xFFFF6000  }
0x73: {  	v24 =	vld [tilespmem:s29+$0xFFFFFFC0]  }
0x74: {  	vm1 =	vgt.f32 v22, v3;
	vm2 =	vgt.f32 v1, v4;
	v0 =	vsel vm0, s26, v0;
	v25 =	vld [tilespmem:s29+$0xFFFFFFD0]  }
0x75: {  	s28 =	sadd.s32 s28, s14;
	vm0 =	vgt.f32 v23, v6;
	v3 =	vsel vm1, v22, v3;
	vm3 =	vgt.f32 v16, v8;
	v26 =	vld [tilespmem:s29+$0xFFFFFFE0]  }
0x76: {  	v5 =	vsel vm1, s28, v5;
	v4 =	vsel vm2, v1, v4;
	v8 =	vsel vm3, v16, v8;
	v16 =	vld [tilespmem:s29+$0xFFFFFFF0]  }
0x77: {  	vm1 =	vgt.f32 v2, v7;
	v6 =	vsel vm0, v23, v6;
	vm5 =	vgt.f32 v20, v11;
	v27 =	vld [tilespmem:s29+$0x0]  }
0x78: {  	v13 =	vsel vm2, s28, v13;
	vm6 =	vgt.f32 v21, v12;
	v11 =	vsel vm5, v20, v11;
	v20 =	vld [tilespmem:s29+$0x10]  }
0x79: {  	v14 =	vsel vm0, s28, v14;
	v7 =	vsel vm1, v2, v7;
	v12 =	vsel vm6, v21, v12;
	v21 =	vld [tilespmem:s29+$0x20]  }
0x7a: {  	vm4 =	vgt.f32 v9, v10;
	v15 =	vsel vm1, s28, v15;
	v17 =	vsel vm3, s28, v17  }
0x7b: {  	v10 =	vsel vm4, v9, v10;
	v18 =	vsel vm4, s28, v18;
	v19 =	vsel vm5, s28, v19;
	v28 =	vld [tilespmem:s29+$0x30];
	s29 =	simm.s32 $0xA0C0  }
0x7c: {  	v0 =	vsel vm6, s28, v0;
	v22 =	vld [tilespmem:s29+$0xFFFFFFC0];
	vm0 =	vgt.f32 v24, v3;
	vm1 =	vgt.f32 v25, v4  }
0x7d: {  	v1 =	vld [tilespmem:s29+$0xFFFFFFD0];
	vm2 =	vgt.f32 v26, v6;
	vm3 =	vgt.f32 v16, v7;
	vm13 =	vgt.f32 v27, v8  }
0x7e: {  	s26 =	sadd.s32 $0x0, s15;
	v23 =	vld [tilespmem:s29+$0xFFFFFFE0];
	vm14 =	vgt.f32 v20, v10;
	vm15 =	vgt.f32 v21, v11;
	v3 =	vsel vm0, v24, v3  }
0x7f: {  	v2 =	vld [tilespmem:s29+$0xFFFFFFF0];
	v5 =	vsel vm0, s26, v5;
	v4 =	vsel vm1, v25, v4;
	v6 =	vsel vm2, v26, v6  }
0x80: {  	v9 =	vld [tilespmem:s29+$0x10];
	v7 =	vsel vm3, v16, v7;
	v8 =	vsel vm13, v27, v8;
	vm0 =	vgt.f32 v28, v12  }
0x81: {  	v16 =	vld [tilespmem:s29+$0x0];
	v10 =	vsel vm14, v20, v10;
	v11 =	vsel vm15, v21, v11;
	v13 =	vsel vm1, s26, v13  }
0x82: {  	v20 =	vld [tilespmem:s29+$0x20];
	v14 =	vsel vm2, s26, v14;
	v15 =	vsel vm3, s26, v15;
	v17 =	vsel vm13, s26, v17  }
0x83: {  	s30 =	simm.s32 $0x2;
	s28 =	simm.s32 $0x1;
	v21 =	vld [tilespmem:s29+$0x30];
	s29 =	simm.s32 $0xA140;
	v18 =	vsel vm14, s26, v18;
	v19 =	vsel vm15, s26, v19;
	v12 =	vsel vm0, v28, v12  }
.LBB2_8:
0x84: {  	v24 =	vld [tilespmem:s29+$0xFFFFFFC0];
	p0 =	sne.s32 s30, $0x13F;
	vm1 =	vgt.f32 v22, v3;
	vm2 =	vgt.f32 v1, v4;
	v0 =	vsel vm0, s26, v0;
	s26 =	sadd.s32 s28, s15;
	s28 =	smov.u32 s30  }
0x85: {  	v3 =	vsel vm1, v22, v3;
	v5 =	vsel vm1, s26, v5;
	v4 =	vsel vm2, v1, v4;
	v1 =	vld [tilespmem:s29+$0xFFFFFFD0]  }
0x86: {  	vm3 =	vgt.f32 v2, v7;
	vm1 =	vgt.f32 v23, v6;
	vm4 =	vgt.f32 v16, v8;
	v25 =	vld [tilespmem:s29+$0xFFFFFFE0]  }
.Ltmp3:
0x87: {  	v7 =	vsel vm3, v2, v7;
	v6 =	vsel vm1, v23, v6;
	v8 =	vsel vm4, v16, v8;
	v2 =	vld [tilespmem:s29+$0xFFFFFFF0];
	(pc) =	sbr.rel @p0 .LBB2_8-.Ltmp3, $4  }
0x88: {  	vm5 =	vgt.f32 v9, v10;
	vm6 =	vgt.f32 v20, v11;
	v16 =	vld [tilespmem:s29+$0x0];
	vm0 =	vgt.f32 v21, v12  }
0x89: {  	v10 =	vsel vm5, v9, v10;
	v11 =	vsel vm6, v20, v11;
	v9 =	vld [tilespmem:s29+$0x10];
	v12 =	vsel vm0, v21, v12;
	v22 =	vmovc v24  }
0x8a: {  	v13 =	vsel vm2, s26, v13;
	v15 =	vsel vm3, s26, v15;
	v14 =	vsel vm1, s26, v14;
	v20 =	vld [tilespmem:s29+$0x20]  }
0x8b: {  	s30 =	sadd.s32 $0x1, s30;
	v17 =	vsel vm4, s26, v17;
	v18 =	vsel vm5, s26, v18;
	v19 =	vsel vm6, s26, v19;
	v21 =	vld [tilespmem:s29+$0x30];
	s29 =	sadd.s32 $0x80, s29;
	v23 =	vmovc v25  }
0x8c: {  	_ =	swait.ge [sflag:s19], $0xA000  }
0x8d: {  	[sflag:s19] =	ssyncset.done $0x0  }
0x8e: {  	s29 =	simm.s32 $0x40;
	[sflag:s19] =	ssyncadd.s32 $0xFFFF6000  }
0x8f: {  	s28 =	sadd.s32 s28, s15;
	vm1 =	vgt.f32 v22, v3;
	vm2 =	vgt.f32 v1, v4;
	v0 =	vsel vm0, s26, v0;
	v24 =	vld [tilespmem:s29+$0xFFFFFFC0]  }
0x90: {  	vm0 =	vgt.f32 v23, v6;
	v3 =	vsel vm1, v22, v3;
	v5 =	vsel vm1, s28, v5;
	v25 =	vld [tilespmem:s29+$0xFFFFFFD0]  }
0x91: {  	v4 =	vsel vm2, v1, v4;
	vm1 =	vgt.f32 v2, v7;
	vm3 =	vgt.f32 v16, v8;
	v26 =	vld [tilespmem:s29+$0xFFFFFFE0]  }
0x92: {  	v6 =	vsel vm0, v23, v6;
	v13 =	vsel vm2, s28, v13;
	v8 =	vsel vm3, v16, v8;
	v16 =	vld [tilespmem:s29+$0xFFFFFFF0]  }
0x93: {  	v14 =	vsel vm0, s28, v14;
	v7 =	vsel vm1, v2, v7;
	vm4 =	vgt.f32 v9, v10;
	v27 =	vld [tilespmem:s29+$0x0]  }
0x94: {  	v15 =	vsel vm1, s28, v15;
	v17 =	vsel vm3, s28, v17;
	vm5 =	vgt.f32 v20, v11;
	v28 =	vld [tilespmem:s29+$0x30]  }
0x95: {  	v10 =	vsel vm4, v9, v10;
	vm6 =	vgt.f32 v21, v12;
	v11 =	vsel vm5, v20, v11;
	v20 =	vld [tilespmem:s29+$0x10]  }
0x96: {  	v18 =	vsel vm4, s28, v18;
	v19 =	vsel vm5, s28, v19;
	v12 =	vsel vm6, v21, v12;
	v21 =	vld [tilespmem:s29+$0x20];
	s29 =	simm.s32 $0xC0  }
0x97: {  	v0 =	vsel vm6, s28, v0;
	v22 =	vld [tilespmem:s29+$0xFFFFFFC0];
	vm0 =	vgt.f32 v24, v3;
	vm1 =	vgt.f32 v25, v4  }
0x98: {  	s26 =	sadd.s32 $0x0, s16;
	v1 =	vld [tilespmem:s29+$0xFFFFFFD0];
	vm2 =	vgt.f32 v26, v6;
	vm3 =	vgt.f32 v16, v7;
	vm13 =	vgt.f32 v27, v8  }
0x99: {  	v23 =	vld [tilespmem:s29+$0xFFFFFFE0];
	v3 =	vsel vm0, v24, v3;
	v5 =	vsel vm0, s26, v5;
	v4 =	vsel vm1, v25, v4  }
0x9a: {  	v2 =	vld [tilespmem:s29+$0xFFFFFFF0];
	v6 =	vsel vm2, v26, v6;
	v7 =	vsel vm3, v16, v7;
	v8 =	vsel vm13, v27, v8  }
0x9b: {  	v9 =	vld [tilespmem:s29+$0x10];
	vm14 =	vgt.f32 v20, v10;
	vm0 =	vgt.f32 v28, v12;
	v13 =	vsel vm1, s26, v13  }
0x9c: {  	v16 =	vld [tilespmem:s29+$0x0];
	v14 =	vsel vm2, s26, v14;
	v15 =	vsel vm3, s26, v15;
	v17 =	vsel vm13, s26, v17  }
0x9d: {  	vm15 =	vgt.f32 v21, v11;
	v10 =	vsel vm14, v20, v10;
	v12 =	vsel vm0, v28, v12;
	v20 =	vld [tilespmem:s29+$0x20]  }
0x9e: {  	s30 =	simm.s32 $0x2;
	s28 =	simm.s32 $0x1;
	v18 =	vsel vm14, s26, v18;
	v11 =	vsel vm15, v21, v11;
	v21 =	vld [tilespmem:s29+$0x30];
	s29 =	simm.s32 $0x140;
	v19 =	vsel vm15, s26, v19  }
.LBB2_10:
0x9f: {  	v24 =	vld [tilespmem:s29+$0xFFFFFFC0];
	p0 =	sne.s32 s30, $0x13F;
	vm1 =	vgt.f32 v22, v3;
	vm2 =	vgt.f32 v1, v4;
	v0 =	vsel vm0, s26, v0;
	s26 =	sadd.s32 s28, s16;
	s28 =	smov.u32 s30  }
0xa0: {  	v3 =	vsel vm1, v22, v3;
	v5 =	vsel vm1, s26, v5;
	v4 =	vsel vm2, v1, v4;
	v1 =	vld [tilespmem:s29+$0xFFFFFFD0]  }
0xa1: {  	vm3 =	vgt.f32 v2, v7;
	vm1 =	vgt.f32 v23, v6;
	vm4 =	vgt.f32 v16, v8;
	v25 =	vld [tilespmem:s29+$0xFFFFFFE0]  }
.Ltmp4:
0xa2: {  	v7 =	vsel vm3, v2, v7;
	v6 =	vsel vm1, v23, v6;
	v8 =	vsel vm4, v16, v8;
	v2 =	vld [tilespmem:s29+$0xFFFFFFF0];
	(pc) =	sbr.rel @p0 .LBB2_10-.Ltmp4, $4  }
0xa3: {  	vm5 =	vgt.f32 v9, v10;
	vm6 =	vgt.f32 v20, v11;
	v16 =	vld [tilespmem:s29+$0x0];
	vm0 =	vgt.f32 v21, v12  }
0xa4: {  	v10 =	vsel vm5, v9, v10;
	v11 =	vsel vm6, v20, v11;
	v9 =	vld [tilespmem:s29+$0x10];
	v12 =	vsel vm0, v21, v12;
	v22 =	vmovc v24  }
0xa5: {  	v13 =	vsel vm2, s26, v13;
	v15 =	vsel vm3, s26, v15;
	v14 =	vsel vm1, s26, v14;
	v20 =	vld [tilespmem:s29+$0x20]  }
0xa6: {  	s30 =	sadd.s32 $0x1, s30;
	v17 =	vsel vm4, s26, v17;
	v18 =	vsel vm5, s26, v18;
	v19 =	vsel vm6, s26, v19;
	v21 =	vld [tilespmem:s29+$0x30];
	s29 =	sadd.s32 $0x80, s29;
	v23 =	vmovc v25  }
0xa7: {  	_ =	swait.ge [sflag:s21], $0x1000  }
0xa8: {  	[sflag:s21] =	ssyncset.done $0x0  }
0xa9: {  	s29 =	simm.s32 $0x14040;
	[sflag:s21] =	ssyncadd.s32 $0xFFFFF000  }
0xaa: {  	vm1 =	vgt.f32 v22, v3;
	vm2 =	vgt.f32 v1, v4;
	v0 =	vsel vm0, s26, v0;
	v24 =	vld [tilespmem:s29+$0xFFFFFFC0]  }
0xab: {  	s28 =	sadd.s32 s28, s16;
	vm0 =	vgt.f32 v23, v6;
	v3 =	vsel vm1, v22, v3;
	v1 =	vsel vm2, v1, v4;
	v4 =	vld [tilespmem:s29+$0xFFFFFFD0]  }
0xac: {  	v5 =	vsel vm1, s28, v5;
	vm1 =	vgt.f32 v2, v7;
	vm3 =	vgt.f32 v16, v8;
	v25 =	vld [tilespmem:s29+$0xFFFFFFE0]  }
0xad: {  	v26 =	vsel vm0, v23, v6;
	v2 =	vsel vm1, v2, v7;
	v7 =	vsel vm3, v16, v8;
	v8 =	vld [tilespmem:s29+$0xFFFFFFF0]  }
0xae: {  	v29 =	vsel vm0, s28, v14;
	vm4 =	vgt.f32 v9, v10;
	v30 =	vsel vm1, s28, v15;
	v27 =	vld [tilespmem:s29+$0x0]  }
0xaf: {  	v17 =	vsel vm3, s28, v17;
	vm5 =	vgt.f32 v20, v11;
	v28 =	vsel vm4, v9, v10;
	v31 =	vld [tilespmem:s29+$0x20]  }
0xb0: {  	v32 =	vsel vm4, s28, v18;
	v18 =	vld [tilespmem:s29+$0x30];
	vm6 =	vgt.f32 v21, v12;
	v11 =	vsel vm5, v20, v11  }
0xb1: {  	v20 =	vld [tilespmem:s29+$0x10];
	v33 =	vsel vm5, s28, v19;
	s29 =	simm.s32 $0x140C0;
	v12 =	vsel vm6, v21, v12;
	v21 =	vsel vm2, s28, v13  }
0xb2: {  	v0 =	vsel vm6, s28, v0;
	v22 =	vld [tilespmem:s29+$0xFFFFFFC0];
	vm0 =	vgt.f32 v24, v3;
	vm1 =	vgt.f32 v4, v1  }
0xb3: {  	s26 =	simm.s32 $0x18680;
	v10 =	vld [tilespmem:s29+$0xFFFFFFD0];
	vm2 =	vgt.f32 v25, v26;
	vm3 =	vgt.f32 v8, v2;
	vm13 =	vgt.f32 v27, v7  }
0xb4: {  	v23 =	vld [tilespmem:s29+$0xFFFFFFE0];
	vm15 =	vgt.f32 v31, v11;
	v16 =	vsel vm0, v24, v3;
	v14 =	vsel vm0, s26, v5  }
0xb5: {  	v6 =	vld [tilespmem:s29+$0xFFFFFFF0];
	v13 =	vsel vm1, v4, v1;
	v15 =	vsel vm2, v25, v26;
	v9 =	vsel vm3, v8, v2  }
0xb6: {  	v3 =	vsel vm13, v27, v7;
	v7 =	vld [tilespmem:s29+$0x0];
	vm14 =	vgt.f32 v20, v28;
	vm0 =	vgt.f32 v18, v12  }
0xb7: {  	v4 =	vld [tilespmem:s29+$0x10];
	v2 =	vsel vm15, v31, v11;
	v21 =	vsel vm1, s26, v21;
	v19 =	vsel vm13, s26, v17  }
0xb8: {  	v8 =	vld [tilespmem:s29+$0x20];
	v5 =	vsel vm14, v20, v28;
	v1 =	vsel vm0, v18, v12;
	v20 =	vsel vm2, s26, v29  }
0xb9: {  	s30 =	simm.s32 $0x18682;
	s28 =	simm.s32 $0x18681;
	v11 =	vld [tilespmem:s29+$0x30];
	s29 =	simm.s32 $0x14140;
	v18 =	vsel vm3, s26, v30;
	v17 =	vsel vm14, s26, v32;
	v12 =	vsel vm15, s26, v33  }
.LBB2_12:
0xba: {  	v24 =	vld [tilespmem:s29+$0xFFFFFFC0];
	p0 =	sne.s32 s30, $0x1869F;
	vm1 =	vgt.f32 v22, v16;
	vm2 =	vgt.f32 v10, v13;
	v0 =	vsel vm0, s26, v0;
	s26 =	smov.u32 s28;
	s28 =	smov.u32 s30  }
0xbb: {  	v16 =	vsel vm1, v22, v16;
	v14 =	vsel vm1, s26, v14;
	v13 =	vsel vm2, v10, v13;
	v10 =	vld [tilespmem:s29+$0xFFFFFFD0]  }
0xbc: {  	vm3 =	vgt.f32 v6, v9;
	vm1 =	vgt.f32 v23, v15;
	vm4 =	vgt.f32 v7, v3;
	v25 =	vld [tilespmem:s29+$0xFFFFFFE0]  }
.Ltmp5:
0xbd: {  	v9 =	vsel vm3, v6, v9;
	v15 =	vsel vm1, v23, v15;
	v3 =	vsel vm4, v7, v3;
	v6 =	vld [tilespmem:s29+$0xFFFFFFF0];
	(pc) =	sbr.rel @p0 .LBB2_12-.Ltmp5, $4  }
0xbe: {  	vm5 =	vgt.f32 v4, v5;
	vm6 =	vgt.f32 v8, v2;
	v7 =	vld [tilespmem:s29+$0x0];
	vm0 =	vgt.f32 v11, v1  }
0xbf: {  	v5 =	vsel vm5, v4, v5;
	v2 =	vsel vm6, v8, v2;
	v4 =	vld [tilespmem:s29+$0x10];
	v1 =	vsel vm0, v11, v1;
	v22 =	vmovc v24  }
0xc0: {  	v21 =	vsel vm2, s26, v21;
	v18 =	vsel vm3, s26, v18;
	v20 =	vsel vm1, s26, v20;
	v8 =	vld [tilespmem:s29+$0x20]  }
0xc1: {  	s30 =	sadd.s32 $0x1, s30;
	v19 =	vsel vm4, s26, v19;
	v17 =	vsel vm5, s26, v17;
	v12 =	vsel vm6, s26, v12;
	v11 =	vld [tilespmem:s29+$0x30];
	s29 =	sadd.s32 $0x80, s29;
	v23 =	vmovc v25  }
0xc2: {  	vm1 =	vgt.f32 v22, v16  }
0xc3: {  	v16 =	vsel vm1, v22, v16  }
0xc4: {  	vm2 =	vgt.f32 v10, v13;
	v14 =	vsel vm1, s28, v14;
	[tilespmem:$0x15000] =	vst v16  }
0xc5: {  	v10 =	vsel vm2, v10, v13;
	[tilespmem:$0x15080] =	vst v14  }
0xc6: {  	vm10 =	vgt.f32 v23, v15;
	v56 =	vsel vm2, s28, v21;
	[tilespmem:$0x15010] =	vst v10  }
0xc7: {  	v57 =	vsel vm10, v23, v15;
	[tilespmem:$0x15090] =	vst v56  }
0xc8: {  	vm11 =	vgt.f32 v6, v9;
	v58 =	vsel vm10, s28, v20;
	[tilespmem:$0x15020] =	vst v57  }
0xc9: {  	v6 =	vsel vm11, v6, v9;
	[tilespmem:$0x150A0] =	vst v58  }
0xca: {  	vm12 =	vgt.f32 v7, v3;
	v59 =	vsel vm11, s28, v18;
	[tilespmem:$0x15030] =	vst v6  }
0xcb: {  	v3 =	vsel vm12, v7, v3;
	[tilespmem:$0x150B0] =	vst v59  }
0xcc: {  	vm13 =	vgt.f32 v4, v5;
	v60 =	vsel vm12, s28, v19;
	[tilespmem:$0x15040] =	vst v3  }
0xcd: {  	v61 =	vsel vm13, v4, v5;
	[tilespmem:$0x150C0] =	vst v60  }
0xce: {  	vm14 =	vgt.f32 v8, v2;
	v62 =	vsel vm13, s28, v17;
	[tilespmem:$0x15050] =	vst v61  }
0xcf: {  	v2 =	vsel vm14, v8, v2;
	[tilespmem:$0x150D0] =	vst v62  }
0xd0: {  	vm15 =	vgt.f32 v11, v1;
	v63 =	vsel vm14, s28, v12;
	[tilespmem:$0x15060] =	vst v2  }
0xd1: {  	v0 =	vsel vm0, s26, v0;
	v1 =	vsel vm15, v11, v1;
	[tilespmem:$0x150E0] =	vst v63  }
0xd2: {  	v0 =	vsel vm15, s28, v0;
	[tilespmem:$0x15070] =	vst v1  }
0xd3: {  	[tilespmem:$0x150F0] =	vst v0  }
0xd4: {  	[hbm4b:s9+s2] =	stream.linear.scatter [tilespmem:s22], [sflag:$0x4], $0x80, $0x38;
	[tilespmem:$0x15100] =	vst v63  }
0xd5: {  	s25 =	sadd.s32 $0x1, s25;
	_ =	swait.ge [sflag:s23], $0x80  }
0xd6: {  	p0 =	sne.s32 s25, s11;
	[sflag:s23] =	ssyncset.done $0x0  }
.Ltmp6:
0xd7: {  	[sflag:s23] =	ssyncadd.s32 $0xFFFFFF80;
	(pc) =	sbr.rel @p0 .LBB2_1-.Ltmp6, $4  }
0xd8: {  	[hbm4b:s10+s2] =	stream.linear.scatter [tilespmem:s24], [sflag:$0x4], $0x80, $0x38;
	[tilespmem:$0x15100] =	vst v63  }
0xd9: {  	_ =	swait.ge [sflag:s23], $0x80  }
0xda: {  	[sflag:s23] =	ssyncset.done $0x0  }
0xdb: {  	[sflag:s23] =	ssyncadd.s32 $0xFFFFFF80  }
0xdc: {  	_ =	sfence.sel $0x180000  }
0xdd: {  	[bflag:$0x0] =	sbarrier.arrive $0xFFFF  }
0xde: {  	p0 =	sne.s32 s1, $0x0;
	_ =	strace $0x90000047  }
0xdf: {  	s0 =	sadd.s32 @!p0 $0x100000, s0;
	[bflag:$0x2] =	sbarrier.arrive $0xFFFF  }
0xe0: {  	[sflag:s0] =	ssyncadd.tile.s32 @!p0 $0x1;
	_ =	shalt  }
.Lfunc_end2:
_tile_overlayer_lowered:
.L_overlay_start_2:
0xe1: {  	(tag) =	ssettag $0x2  }
0xe2: {  	s0 =	rddreg [dreg:$0x0];
	s2 =	stileid.u32  }
0xe3: {  	s1 =	rddreg [dreg:$0x1];
	p0 =	sne.s32 s2, $0x0  }
0xe4: {  	s3 =	rddreg [dreg:$0x2];
	[bflag:$0x3] =	sbarrier.arrive $0xFFFF;
	s2 =	simm.s32 @!p0 $0x1C04  }
0xe5: {  	[timem:s3], [sflag:s2] =	dma.local @!p0 [hbm:s0], s1  }
0xe6: {  	s0 =	simm.s32 @!p0 $0x4  }
0xe7: {  	_ =	swait.ge @!p0 [sflag:s0], s1  }
0xe8: {  	s1 =	ssub.s32 @!p0 $0x0, s1;
	[sflag:s0] =	ssyncset.done @!p0 $0x0  }
0xe9: {  	[sflag:s0] =	ssyncadd.s32 @!p0 s1  }
0xea: {  	[bflag:$0x3] =	sbarrier.arrive $0xFFFF  }
0xeb: {  	_ =	shalt  }

</sc_bundles>
